<compile_context>
chip_gen: v7x
topology: tpu7x:2x2x1
jax: 0.10.2.dev20260603
libtpu: 0.0.44.dev20260713+nightly
codegen_flags: <defaults>
</compile_context>

<pallas_src>
import jax
import jax.numpy as jnp
from jax import lax
from jax.experimental import pallas as pl
from jax.experimental.pallas import tpu as pltpu
from jax.experimental.pallas import tpu_sc as plsc

N_STIMULI = 30
N_DIM = 10
BATCH = 16384
N_IDX = N_STIMULI + 1
LUT_PAD = 1024

_INFO = plsc.get_sparse_core_info()
_NC = 1
_NS = _INFO.num_subcores
_NW = _NC * _NS
_L = _INFO.num_lanes
_B_PER_W = BATCH // _NW
_GROUPS = _B_PER_W // _L
_LUT_PER_S = LUT_PAD // _NS


def _newton_sqrt(x):
    i = lax.bitcast_convert_type(x, jnp.int32)
    i = jnp.int32(0x5F3759DF) - lax.shift_right_logical(i, 1)
    y = lax.bitcast_convert_type(i, jnp.float32)
    for _ in range(2):
        y = y * (1.5 - 0.5 * x * y * y)
    return x * y


def _pair_value(table_v, ia, ib):
    fa = ia * N_DIM
    fb = ib * N_DIM
    acc = jnp.full((_L,), 1e-12, jnp.float32)
    for d in range(N_DIM):
        av = plsc.load_gather(table_v, [fa + d])
        bv = plsc.load_gather(table_v, [fb + d])
        df = av - bv
        acc = acc + df * df
    dist = _newton_sqrt(acc)
    s = jnp.exp(-3.0 * dist)
    return 1.0 / (1.0 + jnp.exp(-s))


def _sc_body(pid_hbm, table_hbm, out_hbm, pid_v, table_v, lutloc_v, lut_v,
             res_v, lut_sh, sem_t, sem_i, sem_o):
    cid = lax.axis_index("c")
    sid = lax.axis_index("s")
    wid = sid * _NC + cid
    base = wid * _B_PER_W
    ct = pltpu.async_copy(table_hbm, table_v, sem_t)
    c0 = pltpu.async_copy(pid_hbm.at[pl.ds(base, _B_PER_W)], pid_v, sem_i)
    ct.wait()

    iota = lax.iota(jnp.int32, _L)
    for g in range(_LUT_PER_S // _L):
        p = sid * _LUT_PER_S + g * _L + iota
        ia = jnp.minimum(p // N_IDX, N_IDX - 1)
        ib = p % N_IDX
        lutloc_v[pl.ds(g * _L, _L)] = _pair_value(table_v, ia, ib)

    pltpu.sync_copy(lutloc_v, lut_sh.at[pl.ds(sid * _LUT_PER_S, _LUT_PER_S)])
    plsc.subcore_barrier()
    pltpu.sync_copy(lut_sh.at[pl.ds(0, 968)], lut_v.at[pl.ds(0, 968)])
    c0.wait()

    quart = _B_PER_W // 4
    qg = _GROUPS // 4
    copies = []
    for q in range(4):
        for g in range(q * qg, (q + 1) * qg):
            pid = pid_v[pl.ds(g * _L, _L)]
            res_v[pl.ds(g * _L, _L)] = plsc.load_gather(lut_v, [pid])
        copies.append(
            pltpu.async_copy(res_v.at[pl.ds(q * quart, quart)],
                             out_hbm.at[pl.ds(base + q * quart, quart)],
                             sem_o))
    for c in copies:
        c.wait()


@jax.jit
def _run(pid, table):
    mesh = plsc.VectorSubcoreMesh(core_axis_name="c", subcore_axis_name="s",
                                  num_cores=_NC)
    fn = pl.kernel(
        _sc_body,
        mesh=mesh,
        out_type=jax.ShapeDtypeStruct((BATCH,), jnp.float32),
        compiler_params=pltpu.CompilerParams(needs_layout_passes=False),
        scratch_types=[
            pltpu.VMEM((_B_PER_W,), jnp.int32),
            pltpu.VMEM((N_IDX * N_DIM,), jnp.float32),
            pltpu.VMEM((_LUT_PER_S,), jnp.float32),
            pltpu.VMEM((LUT_PAD,), jnp.float32),
            pltpu.VMEM((_B_PER_W,), jnp.float32),
            pltpu.VMEM_SHARED((LUT_PAD,), jnp.float32),
            pltpu.SemaphoreType.DMA,
            pltpu.SemaphoreType.DMA,
            pltpu.SemaphoreType.DMA,
        ],
    )
    return fn(pid, table)


def kernel(rate2_stimulus_set, percept_embeddings):
    idx = rate2_stimulus_set.astype(jnp.int32)
    pid = idx[:, 0] * N_IDX + idx[:, 1]
    out = _run(pid, percept_embeddings.reshape(-1))
    return out.reshape(BATCH, 1)

# --- scband reference (transcript-rebuilt; emitter-appended) ---
"""Pipeline reference for scband-rate-model-a-77756087927599 (READ-ONLY COPY).

The authoritative reference and input builder live on the scoring server;
editing this copy changes nothing except your own understanding.
"""

import jax, jax.numpy as jnp
import numpy as np

N_STIMULI = 30
N_DIM = 10
BATCH = 16384


def setup_inputs(seed: int = 0) -> dict:
    key = jax.random.key(seed)
    k1, k2 = jax.random.split(key)
    # forward input: pairs of stimulus indices (0 is the mask row of mask_zero Embedding)
    rate2_stimulus_set = jax.random.randint(k1, (BATCH, 2), 0, 31)
    # learned parameter: Keras Embedding default init is uniform(-0.05, 0.05)
    percept_embeddings = jax.random.uniform(
        k2, (N_STIMULI + 1, N_DIM), minval=-0.05, maxval=0.05, dtype=jnp.float32
    )
    return {
        "rate2_stimulus_set": rate2_stimulus_set,
        "percept_embeddings": percept_embeddings,
    }


def reference(rate2_stimulus_set, percept_embeddings):
    # percept: embedding lookup (gather)
    z = jnp.take(percept_embeddings, rate2_stimulus_set, axis=0)  # [B, 2, n_dim]
    # keras.ops.split(z, [1], axis=1)
    z_0 = z[:, 0:1, :]  # [B, 1, n_dim]
    z_1 = z[:, 1:2, :]  # [B, 1, n_dim]
    # Minkowski distance, rho=2.0, w=1.0 (non-trainable constants)
    rho = 2.0
    w = jnp.ones((N_DIM,), dtype=z.dtype)
    d = jnp.power(
        jnp.sum(w * jnp.power(jnp.abs(z_0 - z_1), rho), axis=-1) + 1e-12,
        1.0 / rho,
    )  # [B, 1]  (eps for grad stability at d=0)
    # ExponentialSimilarity activation: exp(-beta * d**tau) + gamma; beta=3, tau=1, gamma=0
    beta, tau, gamma = 3.0, 1.0, 0.0
    s = jnp.exp(-beta * jnp.power(d, tau)) + gamma  # [B, 1]
    # Logistic layer, default params: upper=1, midpoint=0, rate=1 ->
    # upper / (1 + exp(-rate * (s - midpoint)))
    upper, midpoint, rate = 1.0, 0.0, 1.0
    out = upper / (1.0 + jnp.exp(-rate * (s - midpoint)))  # [B, 1]
    return out

if __name__ == "__main__":
    import jax
    _d = setup_inputs()
    print(jax.jit(kernel)(*tuple(_d.values())))

</pallas_src>

<mosaic_0001>
#map = affine_map<(d0, d1) -> (0)>
module attributes {stable_mosaic.version = 14 : i64} {
  func.func @_sc_body(%arg0: i32, %arg1: i32, %arg2: memref<16384xi32, #tpu.memory_space<hbm>>, %arg3: memref<310xf32, #tpu.memory_space<hbm>>, %arg4: memref<16384xf32, #tpu.memory_space<hbm>>, %arg5: memref<1024xi32, #tpu.memory_space<vmem>>, %arg6: memref<310xf32, #tpu.memory_space<vmem>>, %arg7: memref<64xf32, #tpu.memory_space<vmem>>, %arg8: memref<1024xf32, #tpu.memory_space<vmem>>, %arg9: memref<1024xf32, #tpu.memory_space<vmem>>, %arg10: memref<1024xf32, #tpu.memory_space<vmem_shared>>, %arg11: memref<!tpu.dma_semaphore, #tpu.memory_space<semaphore_mem>>, %arg12: memref<!tpu.dma_semaphore, #tpu.memory_space<semaphore_mem>>, %arg13: memref<!tpu.dma_semaphore, #tpu.memory_space<semaphore_mem>>) attributes {dimension_semantics = [#tpu.dimension_semantics<core_parallel>, #tpu.dimension_semantics<subcore_parallel>], iteration_bounds = array<i64: 1, 16>, scalar_prefetch = 0 : i64, scratch_operands = 9 : i64, tpu.core_type = #tpu.core_type<sc_vector_subcore>, window_params = [{transform_indices = #map}, {transform_indices = #map}, {transform_indices = #map}]} {
    %mul3A = arith.constant 1 : i32
    %mul3A_0 = arith.muli %arg1, %mul3A : i32
    %add3A = arith.addi %mul3A_0, %arg0 : i32
    %mul3A_1 = arith.constant 1024 : i32
    %mul3A_2 = arith.muli %add3A, %mul3A_1 : i32
    tpu.enqueue_dma source(%arg3 : memref<310xf32, #tpu.memory_space<hbm>>) target(%arg6 : memref<310xf32, #tpu.memory_space<vmem>>) target_semaphore(%arg11 : memref<!tpu.dma_semaphore, #tpu.memory_space<semaphore_mem>>)
    %dma_start3A = tpu.memref_slice %arg2[%mul3A_2] : memref<16384xi32, #tpu.memory_space<hbm>> -> memref<1024xi32, #tpu.memory_space<hbm>>
    %dma_start3A_3 = tpu.memref_slice %arg2[%mul3A_2] : memref<16384xi32, #tpu.memory_space<hbm>> -> memref<1024xi32, #tpu.memory_space<hbm>>
    tpu.enqueue_dma source(%dma_start3A_3 : memref<1024xi32, #tpu.memory_space<hbm>>) target(%arg5 : memref<1024xi32, #tpu.memory_space<vmem>>) target_semaphore(%arg12 : memref<!tpu.dma_semaphore, #tpu.memory_space<semaphore_mem>>)
    tpu.wait_dma2 semaphore(%arg11 : memref<!tpu.dma_semaphore, #tpu.memory_space<semaphore_mem>>) src(%arg3 : memref<310xf32, #tpu.memory_space<hbm>>) dst(%arg6 : memref<310xf32, #tpu.memory_space<vmem>>)
    %iota3A = tpu.iota {dimensions = array<i32: 0>} : vector<16xi32>
    %mul3A_4 = arith.constant 64 : i32
    %mul3A_5 = arith.muli %arg1, %mul3A_4 : i32
    %add3A_6 = arith.constant 0 : i32
    %add3A_7 = arith.addi %mul3A_5, %add3A_6 : i32
    %add3A_8 = vector.broadcast %add3A_7 : i32 to vector<16xi32>
    %add3A_9 = arith.addi %add3A_8, %iota3A : vector<16xi32>
    %jit3A = arith.constant 31 : i32
    %div3A = vector.broadcast %jit3A : i32 to vector<16xi32>
    %div3A_10 = arith.divsi %add3A_9, %div3A : vector<16xi32>
    %sign3A = arith.constant 0 : i32
    %sign3A_11 = vector.broadcast %sign3A : i32 to vector<16xi32>
    %sign3A_12 = arith.cmpi sgt, %add3A_9, %sign3A_11 : vector<16xi32>
    %sign3A_13 = arith.extui %sign3A_12 : vector<16xi1> to vector<16xi32>
    %sign3A_14 = arith.constant 0 : i32
    %sign3A_15 = vector.broadcast %sign3A_14 : i32 to vector<16xi32>
    %sign3A_16 = arith.cmpi slt, %add3A_9, %sign3A_15 : vector<16xi32>
    %sign3A_17 = arith.extui %sign3A_16 : vector<16xi1> to vector<16xi32>
    %sign3A_18 = arith.subi %sign3A_13, %sign3A_17 : vector<16xi32>
    %sign3A_19 = arith.constant 0 : i32
    %sign3A_20 = arith.cmpi sgt, %jit3A, %sign3A_19 : i32
    %sign3A_21 = arith.extui %sign3A_20 : i1 to i32
    %sign3A_22 = arith.constant 0 : i32
    %sign3A_23 = arith.cmpi slt, %jit3A, %sign3A_22 : i32
    %sign3A_24 = arith.extui %sign3A_23 : i1 to i32
    %sign3A_25 = arith.subi %sign3A_21, %sign3A_24 : i32
    %ne3A = vector.broadcast %sign3A_25 : i32 to vector<16xi32>
    %ne3A_26 = arith.cmpi ne, %sign3A_18, %ne3A : vector<16xi32>
    %rem3A = vector.broadcast %jit3A : i32 to vector<16xi32>
    %rem3A_27 = arith.remsi %add3A_9, %rem3A : vector<16xi32>
    %ne3A_28 = arith.constant 0 : i32
    %ne3A_29 = vector.broadcast %ne3A_28 : i32 to vector<16xi32>
    %ne3A_30 = arith.cmpi ne, %rem3A_27, %ne3A_29 : vector<16xi32>
    %and3A = arith.andi %ne3A_26, %ne3A_30 : vector<16xi1>
    %sub3A = arith.constant 1 : i32
    %sub3A_31 = vector.broadcast %sub3A : i32 to vector<16xi32>
    %sub3A_32 = arith.subi %div3A_10, %sub3A_31 : vector<16xi32>
    %select_n3A = arith.select %and3A, %sub3A_32, %div3A_10 : vector<16xi1>, vector<16xi32>
    %min3A = arith.constant 30 : i32
    %min3A_33 = vector.broadcast %min3A : i32 to vector<16xi32>
    %min3A_34 = arith.minsi %select_n3A, %min3A_33 : vector<16xi32>
    %jit3A_35 = arith.constant 31 : i32
    %eq3A = arith.constant 0 : i32
    %eq3A_36 = arith.cmpi eq, %jit3A_35, %eq3A : i32
    %jit3A_37 = arith.constant 1 : i32
    %select_n3A_38 = arith.select %eq3A_36, %jit3A_37, %jit3A_35 : i32
    %rem3A_39 = vector.broadcast %select_n3A_38 : i32 to vector<16xi32>
    %rem3A_40 = arith.remsi %add3A_9, %rem3A_39 : vector<16xi32>
    %ne3A_41 = arith.constant 0 : i32
    %ne3A_42 = vector.broadcast %ne3A_41 : i32 to vector<16xi32>
    %ne3A_43 = arith.cmpi ne, %rem3A_40, %ne3A_42 : vector<16xi32>
    %lt3A = arith.constant 0 : i32
    %lt3A_44 = vector.broadcast %lt3A : i32 to vector<16xi32>
    %lt3A_45 = arith.cmpi slt, %rem3A_40, %lt3A_44 : vector<16xi32>
    %lt3A_46 = arith.constant 0 : i32
    %lt3A_47 = arith.cmpi slt, %select_n3A_38, %lt3A_46 : i32
    %ne3A_48 = vector.broadcast %lt3A_47 : i1 to vector<16xi1>
    %ne3A_49 = vector.broadcast %ne3A_48 : vector<16xi1> to vector<16xi1>
    %ne3A_50 = arith.xori %lt3A_45, %ne3A_49 : vector<16xi1>
    %and3A_51 = arith.andi %ne3A_50, %ne3A_43 : vector<16xi1>
    %add3A_52 = vector.broadcast %select_n3A_38 : i32 to vector<16xi32>
    %add3A_53 = arith.addi %rem3A_40, %add3A_52 : vector<16xi32>
    %select_n3A_54 = arith.select %and3A_51, %add3A_53, %rem3A_40 : vector<16xi1>, vector<16xi32>
    %mul3A_55 = arith.constant 10 : i32
    %mul3A_56 = vector.broadcast %mul3A_55 : i32 to vector<16xi32>
    %mul3A_57 = arith.muli %min3A_34, %mul3A_56 : vector<16xi32>
    %mul3A_58 = arith.constant 10 : i32
    %mul3A_59 = vector.broadcast %mul3A_58 : i32 to vector<16xi32>
    %mul3A_60 = arith.muli %select_n3A_54, %mul3A_59 : vector<16xi32>
    %broadcast_in_dim3A = arith.constant 9.99999996E-13 : f32
    %broadcast_in_dim3A_61 = vector.broadcast %broadcast_in_dim3A : f32 to vector<16xf32>
    %add3A_62 = arith.constant 0 : i32
    %add3A_63 = vector.broadcast %add3A_62 : i32 to vector<16xi32>
    %add3A_64 = arith.addi %mul3A_57, %add3A_63 : vector<16xi32>
    %gather3A = tpu.vector_load_idx %arg6[%add3A_64] : memref<310xf32, #tpu.memory_space<vmem>>[vector<16xi32>], vector<16xf32>,
    %add3A_65 = arith.constant 0 : i32
    %add3A_66 = vector.broadcast %add3A_65 : i32 to vector<16xi32>
    %add3A_67 = arith.addi %mul3A_60, %add3A_66 : vector<16xi32>
    %gather3A_68 = tpu.vector_load_idx %arg6[%add3A_67] : memref<310xf32, #tpu.memory_space<vmem>>[vector<16xi32>], vector<16xf32>,
    %sub3A_69 = arith.subf %gather3A, %gather3A_68 : vector<16xf32>
    %mul3A_70 = arith.mulf %sub3A_69, %sub3A_69 : vector<16xf32>
    %add3A_71 = arith.addf %broadcast_in_dim3A_61, %mul3A_70 : vector<16xf32>
    %add3A_72 = arith.constant 1 : i32
    %add3A_73 = vector.broadcast %add3A_72 : i32 to vector<16xi32>
    %add3A_74 = arith.addi %mul3A_57, %add3A_73 : vector<16xi32>
    %gather3A_75 = tpu.vector_load_idx %arg6[%add3A_74] : memref<310xf32, #tpu.memory_space<vmem>>[vector<16xi32>], vector<16xf32>,
    %add3A_76 = arith.constant 1 : i32
    %add3A_77 = vector.broadcast %add3A_76 : i32 to vector<16xi32>
    %add3A_78 = arith.addi %mul3A_60, %add3A_77 : vector<16xi32>
    %gather3A_79 = tpu.vector_load_idx %arg6[%add3A_78] : memref<310xf32, #tpu.memory_space<vmem>>[vector<16xi32>], vector<16xf32>,
    %sub3A_80 = arith.subf %gather3A_75, %gather3A_79 : vector<16xf32>
    %mul3A_81 = arith.mulf %sub3A_80, %sub3A_80 : vector<16xf32>
    %add3A_82 = arith.addf %add3A_71, %mul3A_81 : vector<16xf32>
    %add3A_83 = arith.constant 2 : i32
    %add3A_84 = vector.broadcast %add3A_83 : i32 to vector<16xi32>
    %add3A_85 = arith.addi %mul3A_57, %add3A_84 : vector<16xi32>
    %gather3A_86 = tpu.vector_load_idx %arg6[%add3A_85] : memref<310xf32, #tpu.memory_space<vmem>>[vector<16xi32>], vector<16xf32>,
    %add3A_87 = arith.constant 2 : i32
    %add3A_88 = vector.broadcast %add3A_87 : i32 to vector<16xi32>
    %add3A_89 = arith.addi %mul3A_60, %add3A_88 : vector<16xi32>
    %gather3A_90 = tpu.vector_load_idx %arg6[%add3A_89] : memref<310xf32, #tpu.memory_space<vmem>>[vector<16xi32>], vector<16xf32>,
    %sub3A_91 = arith.subf %gather3A_86, %gather3A_90 : vector<16xf32>
    %mul3A_92 = arith.mulf %sub3A_91, %sub3A_91 : vector<16xf32>
    %add3A_93 = arith.addf %add3A_82, %mul3A_92 : vector<16xf32>
    %add3A_94 = arith.constant 3 : i32
    %add3A_95 = vector.broadcast %add3A_94 : i32 to vector<16xi32>
    %add3A_96 = arith.addi %mul3A_57, %add3A_95 : vector<16xi32>
    %gather3A_97 = tpu.vector_load_idx %arg6[%add3A_96] : memref<310xf32, #tpu.memory_space<vmem>>[vector<16xi32>], vector<16xf32>,
    %add3A_98 = arith.constant 3 : i32
    %add3A_99 = vector.broadcast %add3A_98 : i32 to vector<16xi32>
    %add3A_100 = arith.addi %mul3A_60, %add3A_99 : vector<16xi32>
    %gather3A_101 = tpu.vector_load_idx %arg6[%add3A_100] : memref<310xf32, #tpu.memory_space<vmem>>[vector<16xi32>], vector<16xf32>,
    %sub3A_102 = arith.subf %gather3A_97, %gather3A_101 : vector<16xf32>
    %mul3A_103 = arith.mulf %sub3A_102, %sub3A_102 : vector<16xf32>
    %add3A_104 = arith.addf %add3A_93, %mul3A_103 : vector<16xf32>
    %add3A_105 = arith.constant 4 : i32
    %add3A_106 = vector.broadcast %add3A_105 : i32 to vector<16xi32>
    %add3A_107 = arith.addi %mul3A_57, %add3A_106 : vector<16xi32>
    %gather3A_108 = tpu.vector_load_idx %arg6[%add3A_107] : memref<310xf32, #tpu.memory_space<vmem>>[vector<16xi32>], vector<16xf32>,
    %add3A_109 = arith.constant 4 : i32
    %add3A_110 = vector.broadcast %add3A_109 : i32 to vector<16xi32>
    %add3A_111 = arith.addi %mul3A_60, %add3A_110 : vector<16xi32>
    %gather3A_112 = tpu.vector_load_idx %arg6[%add3A_111] : memref<310xf32, #tpu.memory_space<vmem>>[vector<16xi32>], vector<16xf32>,
    %sub3A_113 = arith.subf %gather3A_108, %gather3A_112 : vector<16xf32>
    %mul3A_114 = arith.mulf %sub3A_113, %sub3A_113 : vector<16xf32>
    %add3A_115 = arith.addf %add3A_104, %mul3A_114 : vector<16xf32>
    %add3A_116 = arith.constant 5 : i32
    %add3A_117 = vector.broadcast %add3A_116 : i32 to vector<16xi32>
    %add3A_118 = arith.addi %mul3A_57, %add3A_117 : vector<16xi32>
    %gather3A_119 = tpu.vector_load_idx %arg6[%add3A_118] : memref<310xf32, #tpu.memory_space<vmem>>[vector<16xi32>], vector<16xf32>,
    %add3A_120 = arith.constant 5 : i32
    %add3A_121 = vector.broadcast %add3A_120 : i32 to vector<16xi32>
    %add3A_122 = arith.addi %mul3A_60, %add3A_121 : vector<16xi32>
    %gather3A_123 = tpu.vector_load_idx %arg6[%add3A_122] : memref<310xf32, #tpu.memory_space<vmem>>[vector<16xi32>], vector<16xf32>,
    %sub3A_124 = arith.subf %gather3A_119, %gather3A_123 : vector<16xf32>
    %mul3A_125 = arith.mulf %sub3A_124, %sub3A_124 : vector<16xf32>
    %add3A_126 = arith.addf %add3A_115, %mul3A_125 : vector<16xf32>
    %add3A_127 = arith.constant 6 : i32
    %add3A_128 = vector.broadcast %add3A_127 : i32 to vector<16xi32>
    %add3A_129 = arith.addi %mul3A_57, %add3A_128 : vector<16xi32>
    %gather3A_130 = tpu.vector_load_idx %arg6[%add3A_129] : memref<310xf32, #tpu.memory_space<vmem>>[vector<16xi32>], vector<16xf32>,
    %add3A_131 = arith.constant 6 : i32
    %add3A_132 = vector.broadcast %add3A_131 : i32 to vector<16xi32>
    %add3A_133 = arith.addi %mul3A_60, %add3A_132 : vector<16xi32>
    %gather3A_134 = tpu.vector_load_idx %arg6[%add3A_133] : memref<310xf32, #tpu.memory_space<vmem>>[vector<16xi32>], vector<16xf32>,
    %sub3A_135 = arith.subf %gather3A_130, %gather3A_134 : vector<16xf32>
    %mul3A_136 = arith.mulf %sub3A_135, %sub3A_135 : vector<16xf32>
    %add3A_137 = arith.addf %add3A_126, %mul3A_136 : vector<16xf32>
    %add3A_138 = arith.constant 7 : i32
    %add3A_139 = vector.broadcast %add3A_138 : i32 to vector<16xi32>
    %add3A_140 = arith.addi %mul3A_57, %add3A_139 : vector<16xi32>
    %gather3A_141 = tpu.vector_load_idx %arg6[%add3A_140] : memref<310xf32, #tpu.memory_space<vmem>>[vector<16xi32>], vector<16xf32>,
    %add3A_142 = arith.constant 7 : i32
    %add3A_143 = vector.broadcast %add3A_142 : i32 to vector<16xi32>
    %add3A_144 = arith.addi %mul3A_60, %add3A_143 : vector<16xi32>
    %gather3A_145 = tpu.vector_load_idx %arg6[%add3A_144] : memref<310xf32, #tpu.memory_space<vmem>>[vector<16xi32>], vector<16xf32>,
    %sub3A_146 = arith.subf %gather3A_141, %gather3A_145 : vector<16xf32>
    %mul3A_147 = arith.mulf %sub3A_146, %sub3A_146 : vector<16xf32>
    %add3A_148 = arith.addf %add3A_137, %mul3A_147 : vector<16xf32>
    %add3A_149 = arith.constant 8 : i32
    %add3A_150 = vector.broadcast %add3A_149 : i32 to vector<16xi32>
    %add3A_151 = arith.addi %mul3A_57, %add3A_150 : vector<16xi32>
    %gather3A_152 = tpu.vector_load_idx %arg6[%add3A_151] : memref<310xf32, #tpu.memory_space<vmem>>[vector<16xi32>], vector<16xf32>,
    %add3A_153 = arith.constant 8 : i32
    %add3A_154 = vector.broadcast %add3A_153 : i32 to vector<16xi32>
    %add3A_155 = arith.addi %mul3A_60, %add3A_154 : vector<16xi32>
    %gather3A_156 = tpu.vector_load_idx %arg6[%add3A_155] : memref<310xf32, #tpu.memory_space<vmem>>[vector<16xi32>], vector<16xf32>,
    %sub3A_157 = arith.subf %gather3A_152, %gather3A_156 : vector<16xf32>
    %mul3A_158 = arith.mulf %sub3A_157, %sub3A_157 : vector<16xf32>
    %add3A_159 = arith.addf %add3A_148, %mul3A_158 : vector<16xf32>
    %add3A_160 = arith.constant 9 : i32
    %add3A_161 = vector.broadcast %add3A_160 : i32 to vector<16xi32>
    %add3A_162 = arith.addi %mul3A_57, %add3A_161 : vector<16xi32>
    %gather3A_163 = tpu.vector_load_idx %arg6[%add3A_162] : memref<310xf32, #tpu.memory_space<vmem>>[vector<16xi32>], vector<16xf32>,
    %add3A_164 = arith.constant 9 : i32
    %add3A_165 = vector.broadcast %add3A_164 : i32 to vector<16xi32>
    %add3A_166 = arith.addi %mul3A_60, %add3A_165 : vector<16xi32>
    %gather3A_167 = tpu.vector_load_idx %arg6[%add3A_166] : memref<310xf32, #tpu.memory_space<vmem>>[vector<16xi32>], vector<16xf32>,
    %sub3A_168 = arith.subf %gather3A_163, %gather3A_167 : vector<16xf32>
    %mul3A_169 = arith.mulf %sub3A_168, %sub3A_168 : vector<16xf32>
    %add3A_170 = arith.addf %add3A_159, %mul3A_169 : vector<16xf32>
    %bitcast_convert_type3A = tpu.bitcast %add3A_170 : vector<16xf32> -> vector<16xi32>
    %shift_right_logical3A = arith.constant 1 : i32
    %shift_right_logical3A_171 = vector.broadcast %shift_right_logical3A : i32 to vector<16xi32>
    %shift_right_logical3A_172 = arith.shrui %bitcast_convert_type3A, %shift_right_logical3A_171 : vector<16xi32>
    %sub3A_173 = arith.constant 1597463007 : i32
    %sub3A_174 = vector.broadcast %sub3A_173 : i32 to vector<16xi32>
    %sub3A_175 = arith.subi %sub3A_174, %shift_right_logical3A_172 : vector<16xi32>
    %bitcast_convert_type3A_176 = tpu.bitcast %sub3A_175 : vector<16xi32> -> vector<16xf32>
    %mul3A_177 = arith.constant 5.000000e-01 : f32
    %mul3A_178 = vector.broadcast %mul3A_177 : f32 to vector<16xf32>
    %mul3A_179 = arith.mulf %mul3A_178, %add3A_170 : vector<16xf32>
    %mul3A_180 = arith.mulf %mul3A_179, %bitcast_convert_type3A_176 : vector<16xf32>
    %mul3A_181 = arith.mulf %mul3A_180, %bitcast_convert_type3A_176 : vector<16xf32>
    %sub3A_182 = arith.constant 1.500000e+00 : f32
    %sub3A_183 = vector.broadcast %sub3A_182 : f32 to vector<16xf32>
    %sub3A_184 = arith.subf %sub3A_183, %mul3A_181 : vector<16xf32>
    %mul3A_185 = arith.mulf %bitcast_convert_type3A_176, %sub3A_184 : vector<16xf32>
    %mul3A_186 = arith.constant 5.000000e-01 : f32
    %mul3A_187 = vector.broadcast %mul3A_186 : f32 to vector<16xf32>
    %mul3A_188 = arith.mulf %mul3A_187, %add3A_170 : vector<16xf32>
    %mul3A_189 = arith.mulf %mul3A_188, %mul3A_185 : vector<16xf32>
    %mul3A_190 = arith.mulf %mul3A_189, %mul3A_185 : vector<16xf32>
    %sub3A_191 = arith.constant 1.500000e+00 : f32
    %sub3A_192 = vector.broadcast %sub3A_191 : f32 to vector<16xf32>
    %sub3A_193 = arith.subf %sub3A_192, %mul3A_190 : vector<16xf32>
    %mul3A_194 = arith.mulf %mul3A_185, %sub3A_193 : vector<16xf32>
    %mul3A_195 = arith.mulf %add3A_170, %mul3A_194 : vector<16xf32>
    %mul3A_196 = arith.constant -3.000000e+00 : f32
    %mul3A_197 = vector.broadcast %mul3A_196 : f32 to vector<16xf32>
    %mul3A_198 = arith.mulf %mul3A_197, %mul3A_195 : vector<16xf32>
    %exp3A = math.exp %mul3A_198 : vector<16xf32>
    %neg3A = arith.constant 0.000000e+00 : f32
    %neg3A_199 = vector.broadcast %neg3A : f32 to vector<16xf32>
    %neg3A_200 = arith.subf %neg3A_199, %exp3A : vector<16xf32>
    %exp3A_201 = math.exp %neg3A_200 : vector<16xf32>
    %add3A_202 = arith.constant 1.000000e+00 : f32
    %add3A_203 = vector.broadcast %add3A_202 : f32 to vector<16xf32>
    %add3A_204 = arith.addf %add3A_203, %exp3A_201 : vector<16xf32>
    %div3A_205 = arith.constant 1.000000e+00 : f32
    %div3A_206 = vector.broadcast %div3A_205 : f32 to vector<16xf32>
    %div3A_207 = arith.divf %div3A_206, %add3A_204 : vector<16xf32>
    %swap3A = arith.constant 0 : index
    %swap3A_208 = tpu.vector_load %arg7[%swap3A] {strides = array<i32>} : memref<64xf32, #tpu.memory_space<vmem>>, vector<16xf32>,
    tpu.vector_store %arg7[%swap3A], %div3A_207 {strides = array<i32>} : memref<64xf32, #tpu.memory_space<vmem>>, vector<16xf32>,
    %mul3A_209 = arith.constant 64 : i32
    %mul3A_210 = arith.muli %arg1, %mul3A_209 : i32
    %add3A_211 = arith.constant 16 : i32
    %add3A_212 = arith.addi %mul3A_210, %add3A_211 : i32
    %add3A_213 = vector.broadcast %add3A_212 : i32 to vector<16xi32>
    %add3A_214 = arith.addi %add3A_213, %iota3A : vector<16xi32>
    %jit3A_215 = arith.constant 31 : i32
    %div3A_216 = vector.broadcast %jit3A_215 : i32 to vector<16xi32>
    %div3A_217 = arith.divsi %add3A_214, %div3A_216 : vector<16xi32>
    %sign3A_218 = arith.constant 0 : i32
    %sign3A_219 = vector.broadcast %sign3A_218 : i32 to vector<16xi32>
    %sign3A_220 = arith.cmpi sgt, %add3A_214, %sign3A_219 : vector<16xi32>
    %sign3A_221 = arith.extui %sign3A_220 : vector<16xi1> to vector<16xi32>
    %sign3A_222 = arith.constant 0 : i32
    %sign3A_223 = vector.broadcast %sign3A_222 : i32 to vector<16xi32>
    %sign3A_224 = arith.cmpi slt, %add3A_214, %sign3A_223 : vector<16xi32>
    %sign3A_225 = arith.extui %sign3A_224 : vector<16xi1> to vector<16xi32>
    %sign3A_226 = arith.subi %sign3A_221, %sign3A_225 : vector<16xi32>
    %sign3A_227 = arith.constant 0 : i32
    %sign3A_228 = arith.cmpi sgt, %jit3A_215, %sign3A_227 : i32
    %sign3A_229 = arith.extui %sign3A_228 : i1 to i32
    %sign3A_230 = arith.constant 0 : i32
    %sign3A_231 = arith.cmpi slt, %jit3A_215, %sign3A_230 : i32
    %sign3A_232 = arith.extui %sign3A_231 : i1 to i32
    %sign3A_233 = arith.subi %sign3A_229, %sign3A_232 : i32
    %ne3A_234 = vector.broadcast %sign3A_233 : i32 to vector<16xi32>
    %ne3A_235 = arith.cmpi ne, %sign3A_226, %ne3A_234 : vector<16xi32>
    %rem3A_236 = vector.broadcast %jit3A_215 : i32 to vector<16xi32>
    %rem3A_237 = arith.remsi %add3A_214, %rem3A_236 : vector<16xi32>
    %ne3A_238 = arith.constant 0 : i32
    %ne3A_239 = vector.broadcast %ne3A_238 : i32 to vector<16xi32>
    %ne3A_240 = arith.cmpi ne, %rem3A_237, %ne3A_239 : vector<16xi32>
    %and3A_241 = arith.andi %ne3A_235, %ne3A_240 : vector<16xi1>
    %sub3A_242 = arith.constant 1 : i32
    %sub3A_243 = vector.broadcast %sub3A_242 : i32 to vector<16xi32>
    %sub3A_244 = arith.subi %div3A_217, %sub3A_243 : vector<16xi32>
    %select_n3A_245 = arith.select %and3A_241, %sub3A_244, %div3A_217 : vector<16xi1>, vector<16xi32>
    %min3A_246 = arith.constant 30 : i32
    %min3A_247 = vector.broadcast %min3A_246 : i32 to vector<16xi32>
    %min3A_248 = arith.minsi %select_n3A_245, %min3A_247 : vector<16xi32>
    %jit3A_249 = arith.constant 31 : i32
    %eq3A_250 = arith.constant 0 : i32
    %eq3A_251 = arith.cmpi eq, %jit3A_249, %eq3A_250 : i32
    %jit3A_252 = arith.constant 1 : i32
    %select_n3A_253 = arith.select %eq3A_251, %jit3A_252, %jit3A_249 : i32
    %rem3A_254 = vector.broadcast %select_n3A_253 : i32 to vector<16xi32>
    %rem3A_255 = arith.remsi %add3A_214, %rem3A_254 : vector<16xi32>
    %ne3A_256 = arith.constant 0 : i32
    %ne3A_257 = vector.broadcast %ne3A_256 : i32 to vector<16xi32>
    %ne3A_258 = arith.cmpi ne, %rem3A_255, %ne3A_257 : vector<16xi32>
    %lt3A_259 = arith.constant 0 : i32
    %lt3A_260 = vector.broadcast %lt3A_259 : i32 to vector<16xi32>
    %lt3A_261 = arith.cmpi slt, %rem3A_255, %lt3A_260 : vector<16xi32>
    %lt3A_262 = arith.constant 0 : i32
    %lt3A_263 = arith.cmpi slt, %select_n3A_253, %lt3A_262 : i32
    %ne3A_264 = vector.broadcast %lt3A_263 : i1 to vector<16xi1>
    %ne3A_265 = vector.broadcast %ne3A_264 : vector<16xi1> to vector<16xi1>
    %ne3A_266 = arith.xori %lt3A_261, %ne3A_265 : vector<16xi1>
    %and3A_267 = arith.andi %ne3A_266, %ne3A_258 : vector<16xi1>
    %add3A_268 = vector.broadcast %select_n3A_253 : i32 to vector<16xi32>
    %add3A_269 = arith.addi %rem3A_255, %add3A_268 : vector<16xi32>
    %select_n3A_270 = arith.select %and3A_267, %add3A_269, %rem3A_255 : vector<16xi1>, vector<16xi32>
    %mul3A_271 = arith.constant 10 : i32
    %mul3A_272 = vector.broadcast %mul3A_271 : i32 to vector<16xi32>
    %mul3A_273 = arith.muli %min3A_248, %mul3A_272 : vector<16xi32>
    %mul3A_274 = arith.constant 10 : i32
    %mul3A_275 = vector.broadcast %mul3A_274 : i32 to vector<16xi32>
    %mul3A_276 = arith.muli %select_n3A_270, %mul3A_275 : vector<16xi32>
    %broadcast_in_dim3A_277 = arith.constant 9.99999996E-13 : f32
    %broadcast_in_dim3A_278 = vector.broadcast %broadcast_in_dim3A_277 : f32 to vector<16xf32>
    %add3A_279 = arith.constant 0 : i32
    %add3A_280 = vector.broadcast %add3A_279 : i32 to vector<16xi32>
    %add3A_281 = arith.addi %mul3A_273, %add3A_280 : vector<16xi32>
    %gather3A_282 = tpu.vector_load_idx %arg6[%add3A_281] : memref<310xf32, #tpu.memory_space<vmem>>[vector<16xi32>], vector<16xf32>,
    %add3A_283 = arith.constant 0 : i32
    %add3A_284 = vector.broadcast %add3A_283 : i32 to vector<16xi32>
    %add3A_285 = arith.addi %mul3A_276, %add3A_284 : vector<16xi32>
    %gather3A_286 = tpu.vector_load_idx %arg6[%add3A_285] : memref<310xf32, #tpu.memory_space<vmem>>[vector<16xi32>], vector<16xf32>,
    %sub3A_287 = arith.subf %gather3A_282, %gather3A_286 : vector<16xf32>
    %mul3A_288 = arith.mulf %sub3A_287, %sub3A_287 : vector<16xf32>
    %add3A_289 = arith.addf %broadcast_in_dim3A_278, %mul3A_288 : vector<16xf32>
    %add3A_290 = arith.constant 1 : i32
    %add3A_291 = vector.broadcast %add3A_290 : i32 to vector<16xi32>
    %add3A_292 = arith.addi %mul3A_273, %add3A_291 : vector<16xi32>
    %gather3A_293 = tpu.vector_load_idx %arg6[%add3A_292] : memref<310xf32, #tpu.memory_space<vmem>>[vector<16xi32>], vector<16xf32>,
    %add3A_294 = arith.constant 1 : i32
    %add3A_295 = vector.broadcast %add3A_294 : i32 to vector<16xi32>
    %add3A_296 = arith.addi %mul3A_276, %add3A_295 : vector<16xi32>
    %gather3A_297 = tpu.vector_load_idx %arg6[%add3A_296] : memref<310xf32, #tpu.memory_space<vmem>>[vector<16xi32>], vector<16xf32>,
    %sub3A_298 = arith.subf %gather3A_293, %gather3A_297 : vector<16xf32>
    %mul3A_299 = arith.mulf %sub3A_298, %sub3A_298 : vector<16xf32>
    %add3A_300 = arith.addf %add3A_289, %mul3A_299 : vector<16xf32>
    %add3A_301 = arith.constant 2 : i32
    %add3A_302 = vector.broadcast %add3A_301 : i32 to vector<16xi32>
    %add3A_303 = arith.addi %mul3A_273, %add3A_302 : vector<16xi32>
    %gather3A_304 = tpu.vector_load_idx %arg6[%add3A_303] : memref<310xf32, #tpu.memory_space<vmem>>[vector<16xi32>], vector<16xf32>,
    %add3A_305 = arith.constant 2 : i32
    %add3A_306 = vector.broadcast %add3A_305 : i32 to vector<16xi32>
    %add3A_307 = arith.addi %mul3A_276, %add3A_306 : vector<16xi32>
    %gather3A_308 = tpu.vector_load_idx %arg6[%add3A_307] : memref<310xf32, #tpu.memory_space<vmem>>[vector<16xi32>], vector<16xf32>,
    %sub3A_309 = arith.subf %gather3A_304, %gather3A_308 : vector<16xf32>
    %mul3A_310 = arith.mulf %sub3A_309, %sub3A_309 : vector<16xf32>
    %add3A_311 = arith.addf %add3A_300, %mul3A_310 : vector<16xf32>
    %add3A_312 = arith.constant 3 : i32
    %add3A_313 = vector.broadcast %add3A_312 : i32 to vector<16xi32>
    %add3A_314 = arith.addi %mul3A_273, %add3A_313 : vector<16xi32>
    %gather3A_315 = tpu.vector_load_idx %arg6[%add3A_314] : memref<310xf32, #tpu.memory_space<vmem>>[vector<16xi32>], vector<16xf32>,
    %add3A_316 = arith.constant 3 : i32
    %add3A_317 = vector.broadcast %add3A_316 : i32 to vector<16xi32>
    %add3A_318 = arith.addi %mul3A_276, %add3A_317 : vector<16xi32>
    %gather3A_319 = tpu.vector_load_idx %arg6[%add3A_318] : memref<310xf32, #tpu.memory_space<vmem>>[vector<16xi32>], vector<16xf32>,
    %sub3A_320 = arith.subf %gather3A_315, %gather3A_319 : vector<16xf32>
    %mul3A_321 = arith.mulf %sub3A_320, %sub3A_320 : vector<16xf32>
    %add3A_322 = arith.addf %add3A_311, %mul3A_321 : vector<16xf32>
    %add3A_323 = arith.constant 4 : i32
    %add3A_324 = vector.broadcast %add3A_323 : i32 to vector<16xi32>
    %add3A_325 = arith.addi %mul3A_273, %add3A_324 : vector<16xi32>
    %gather3A_326 = tpu.vector_load_idx %arg6[%add3A_325] : memref<310xf32, #tpu.memory_space<vmem>>[vector<16xi32>], vector<16xf32>,
    %add3A_327 = arith.constant 4 : i32
    %add3A_328 = vector.broadcast %add3A_327 : i32 to vector<16xi32>
    %add3A_329 = arith.addi %mul3A_276, %add3A_328 : vector<16xi32>
    %gather3A_330 = tpu.vector_load_idx %arg6[%add3A_329] : memref<310xf32, #tpu.memory_space<vmem>>[vector<16xi32>], vector<16xf32>,
    %sub3A_331 = arith.subf %gather3A_326, %gather3A_330 : vector<16xf32>
    %mul3A_332 = arith.mulf %sub3A_331, %sub3A_331 : vector<16xf32>
    %add3A_333 = arith.addf %add3A_322, %mul3A_332 : vector<16xf32>
    %add3A_334 = arith.constant 5 : i32
    %add3A_335 = vector.broadcast %add3A_334 : i32 to vector<16xi32>
    %add3A_336 = arith.addi %mul3A_273, %add3A_335 : vector<16xi32>
    %gather3A_337 = tpu.vector_load_idx %arg6[%add3A_336] : memref<310xf32, #tpu.memory_space<vmem>>[vector<16xi32>], vector<16xf32>,
    %add3A_338 = arith.constant 5 : i32
    %add3A_339 = vector.broadcast %add3A_338 : i32 to vector<16xi32>
    %add3A_340 = arith.addi %mul3A_276, %add3A_339 : vector<16xi32>
    %gather3A_341 = tpu.vector_load_idx %arg6[%add3A_340] : memref<310xf32, #tpu.memory_space<vmem>>[vector<16xi32>], vector<16xf32>,
    %sub3A_342 = arith.subf %gather3A_337, %gather3A_341 : vector<16xf32>
    %mul3A_343 = arith.mulf %sub3A_342, %sub3A_342 : vector<16xf32>
    %add3A_344 = arith.addf %add3A_333, %mul3A_343 : vector<16xf32>
    %add3A_345 = arith.constant 6 : i32
    %add3A_346 = vector.broadcast %add3A_345 : i32 to vector<16xi32>
    %add3A_347 = arith.addi %mul3A_273, %add3A_346 : vector<16xi32>
    %gather3A_348 = tpu.vector_load_idx %arg6[%add3A_347] : memref<310xf32, #tpu.memory_space<vmem>>[vector<16xi32>], vector<16xf32>,
    %add3A_349 = arith.constant 6 : i32
    %add3A_350 = vector.broadcast %add3A_349 : i32 to vector<16xi32>
    %add3A_351 = arith.addi %mul3A_276, %add3A_350 : vector<16xi32>
    %gather3A_352 = tpu.vector_load_idx %arg6[%add3A_351] : memref<310xf32, #tpu.memory_space<vmem>>[vector<16xi32>], vector<16xf32>,
    %sub3A_353 = arith.subf %gather3A_348, %gather3A_352 : vector<16xf32>
    %mul3A_354 = arith.mulf %sub3A_353, %sub3A_353 : vector<16xf32>
    %add3A_355 = arith.addf %add3A_344, %mul3A_354 : vector<16xf32>
    %add3A_356 = arith.constant 7 : i32
    %add3A_357 = vector.broadcast %add3A_356 : i32 to vector<16xi32>
    %add3A_358 = arith.addi %mul3A_273, %add3A_357 : vector<16xi32>
    %gather3A_359 = tpu.vector_load_idx %arg6[%add3A_358] : memref<310xf32, #tpu.memory_space<vmem>>[vector<16xi32>], vector<16xf32>,
    %add3A_360 = arith.constant 7 : i32
    %add3A_361 = vector.broadcast %add3A_360 : i32 to vector<16xi32>
    %add3A_362 = arith.addi %mul3A_276, %add3A_361 : vector<16xi32>
    %gather3A_363 = tpu.vector_load_idx %arg6[%add3A_362] : memref<310xf32, #tpu.memory_space<vmem>>[vector<16xi32>], vector<16xf32>,
    %sub3A_364 = arith.subf %gather3A_359, %gather3A_363 : vector<16xf32>
    %mul3A_365 = arith.mulf %sub3A_364, %sub3A_364 : vector<16xf32>
    %add3A_366 = arith.addf %add3A_355, %mul3A_365 : vector<16xf32>
    %add3A_367 = arith.constant 8 : i32
    %add3A_368 = vector.broadcast %add3A_367 : i32 to vector<16xi32>
    %add3A_369 = arith.addi %mul3A_273, %add3A_368 : vector<16xi32>
    %gather3A_370 = tpu.vector_load_idx %arg6[%add3A_369] : memref<310xf32, #tpu.memory_space<vmem>>[vector<16xi32>], vector<16xf32>,
    %add3A_371 = arith.constant 8 : i32
    %add3A_372 = vector.broadcast %add3A_371 : i32 to vector<16xi32>
    %add3A_373 = arith.addi %mul3A_276, %add3A_372 : vector<16xi32>
    %gather3A_374 = tpu.vector_load_idx %arg6[%add3A_373] : memref<310xf32, #tpu.memory_space<vmem>>[vector<16xi32>], vector<16xf32>,
    %sub3A_375 = arith.subf %gather3A_370, %gather3A_374 : vector<16xf32>
    %mul3A_376 = arith.mulf %sub3A_375, %sub3A_375 : vector<16xf32>
    %add3A_377 = arith.addf %add3A_366, %mul3A_376 : vector<16xf32>
    %add3A_378 = arith.constant 9 : i32
    %add3A_379 = vector.broadcast %add3A_378 : i32 to vector<16xi32>
    %add3A_380 = arith.addi %mul3A_273, %add3A_379 : vector<16xi32>
    %gather3A_381 = tpu.vector_load_idx %arg6[%add3A_380] : memref<310xf32, #tpu.memory_space<vmem>>[vector<16xi32>], vector<16xf32>,
    %add3A_382 = arith.constant 9 : i32
    %add3A_383 = vector.broadcast %add3A_382 : i32 to vector<16xi32>
    %add3A_384 = arith.addi %mul3A_276, %add3A_383 : vector<16xi32>
    %gather3A_385 = tpu.vector_load_idx %arg6[%add3A_384] : memref<310xf32, #tpu.memory_space<vmem>>[vector<16xi32>], vector<16xf32>,
    %sub3A_386 = arith.subf %gather3A_381, %gather3A_385 : vector<16xf32>
    %mul3A_387 = arith.mulf %sub3A_386, %sub3A_386 : vector<16xf32>
    %add3A_388 = arith.addf %add3A_377, %mul3A_387 : vector<16xf32>
    %bitcast_convert_type3A_389 = tpu.bitcast %add3A_388 : vector<16xf32> -> vector<16xi32>
    %shift_right_logical3A_390 = arith.constant 1 : i32
    %shift_right_logical3A_391 = vector.broadcast %shift_right_logical3A_390 : i32 to vector<16xi32>
    %shift_right_logical3A_392 = arith.shrui %bitcast_convert_type3A_389, %shift_right_logical3A_391 : vector<16xi32>
    %sub3A_393 = arith.constant 1597463007 : i32
    %sub3A_394 = vector.broadcast %sub3A_393 : i32 to vector<16xi32>
    %sub3A_395 = arith.subi %sub3A_394, %shift_right_logical3A_392 : vector<16xi32>
    %bitcast_convert_type3A_396 = tpu.bitcast %sub3A_395 : vector<16xi32> -> vector<16xf32>
    %mul3A_397 = arith.constant 5.000000e-01 : f32
    %mul3A_398 = vector.broadcast %mul3A_397 : f32 to vector<16xf32>
    %mul3A_399 = arith.mulf %mul3A_398, %add3A_388 : vector<16xf32>
    %mul3A_400 = arith.mulf %mul3A_399, %bitcast_convert_type3A_396 : vector<16xf32>
    %mul3A_401 = arith.mulf %mul3A_400, %bitcast_convert_type3A_396 : vector<16xf32>
    %sub3A_402 = arith.constant 1.500000e+00 : f32
    %sub3A_403 = vector.broadcast %sub3A_402 : f32 to vector<16xf32>
    %sub3A_404 = arith.subf %sub3A_403, %mul3A_401 : vector<16xf32>
    %mul3A_405 = arith.mulf %bitcast_convert_type3A_396, %sub3A_404 : vector<16xf32>
    %mul3A_406 = arith.constant 5.000000e-01 : f32
    %mul3A_407 = vector.broadcast %mul3A_406 : f32 to vector<16xf32>
    %mul3A_408 = arith.mulf %mul3A_407, %add3A_388 : vector<16xf32>
    %mul3A_409 = arith.mulf %mul3A_408, %mul3A_405 : vector<16xf32>
    %mul3A_410 = arith.mulf %mul3A_409, %mul3A_405 : vector<16xf32>
    %sub3A_411 = arith.constant 1.500000e+00 : f32
    %sub3A_412 = vector.broadcast %sub3A_411 : f32 to vector<16xf32>
    %sub3A_413 = arith.subf %sub3A_412, %mul3A_410 : vector<16xf32>
    %mul3A_414 = arith.mulf %mul3A_405, %sub3A_413 : vector<16xf32>
    %mul3A_415 = arith.mulf %add3A_388, %mul3A_414 : vector<16xf32>
    %mul3A_416 = arith.constant -3.000000e+00 : f32
    %mul3A_417 = vector.broadcast %mul3A_416 : f32 to vector<16xf32>
    %mul3A_418 = arith.mulf %mul3A_417, %mul3A_415 : vector<16xf32>
    %exp3A_419 = math.exp %mul3A_418 : vector<16xf32>
    %neg3A_420 = arith.constant 0.000000e+00 : f32
    %neg3A_421 = vector.broadcast %neg3A_420 : f32 to vector<16xf32>
    %neg3A_422 = arith.subf %neg3A_421, %exp3A_419 : vector<16xf32>
    %exp3A_423 = math.exp %neg3A_422 : vector<16xf32>
    %add3A_424 = arith.constant 1.000000e+00 : f32
    %add3A_425 = vector.broadcast %add3A_424 : f32 to vector<16xf32>
    %add3A_426 = arith.addf %add3A_425, %exp3A_423 : vector<16xf32>
    %div3A_427 = arith.constant 1.000000e+00 : f32
    %div3A_428 = vector.broadcast %div3A_427 : f32 to vector<16xf32>
    %div3A_429 = arith.divf %div3A_428, %add3A_426 : vector<16xf32>
    %swap3A_430 = arith.constant 16 : index
    %swap3A_431 = tpu.vector_load %arg7[%swap3A_430] {strides = array<i32>} : memref<64xf32, #tpu.memory_space<vmem>>, vector<16xf32>,
    tpu.vector_store %arg7[%swap3A_430], %div3A_429 {strides = array<i32>} : memref<64xf32, #tpu.memory_space<vmem>>, vector<16xf32>,
    %mul3A_432 = arith.constant 64 : i32
    %mul3A_433 = arith.muli %arg1, %mul3A_432 : i32
    %add3A_434 = arith.constant 32 : i32
    %add3A_435 = arith.addi %mul3A_433, %add3A_434 : i32
    %add3A_436 = vector.broadcast %add3A_435 : i32 to vector<16xi32>
    %add3A_437 = arith.addi %add3A_436, %iota3A : vector<16xi32>
    %jit3A_438 = arith.constant 31 : i32
    %div3A_439 = vector.broadcast %jit3A_438 : i32 to vector<16xi32>
    %div3A_440 = arith.divsi %add3A_437, %div3A_439 : vector<16xi32>
    %sign3A_441 = arith.constant 0 : i32
    %sign3A_442 = vector.broadcast %sign3A_441 : i32 to vector<16xi32>
    %sign3A_443 = arith.cmpi sgt, %add3A_437, %sign3A_442 : vector<16xi32>
    %sign3A_444 = arith.extui %sign3A_443 : vector<16xi1> to vector<16xi32>
    %sign3A_445 = arith.constant 0 : i32
    %sign3A_446 = vector.broadcast %sign3A_445 : i32 to vector<16xi32>
    %sign3A_447 = arith.cmpi slt, %add3A_437, %sign3A_446 : vector<16xi32>
    %sign3A_448 = arith.extui %sign3A_447 : vector<16xi1> to vector<16xi32>
    %sign3A_449 = arith.subi %sign3A_444, %sign3A_448 : vector<16xi32>
    %sign3A_450 = arith.constant 0 : i32
    %sign3A_451 = arith.cmpi sgt, %jit3A_438, %sign3A_450 : i32
    %sign3A_452 = arith.extui %sign3A_451 : i1 to i32
    %sign3A_453 = arith.constant 0 : i32
    %sign3A_454 = arith.cmpi slt, %jit3A_438, %sign3A_453 : i32
    %sign3A_455 = arith.extui %sign3A_454 : i1 to i32
    %sign3A_456 = arith.subi %sign3A_452, %sign3A_455 : i32
    %ne3A_457 = vector.broadcast %sign3A_456 : i32 to vector<16xi32>
    %ne3A_458 = arith.cmpi ne, %sign3A_449, %ne3A_457 : vector<16xi32>
    %rem3A_459 = vector.broadcast %jit3A_438 : i32 to vector<16xi32>
    %rem3A_460 = arith.remsi %add3A_437, %rem3A_459 : vector<16xi32>
    %ne3A_461 = arith.constant 0 : i32
    %ne3A_462 = vector.broadcast %ne3A_461 : i32 to vector<16xi32>
    %ne3A_463 = arith.cmpi ne, %rem3A_460, %ne3A_462 : vector<16xi32>
    %and3A_464 = arith.andi %ne3A_458, %ne3A_463 : vector<16xi1>
    %sub3A_465 = arith.constant 1 : i32
    %sub3A_466 = vector.broadcast %sub3A_465 : i32 to vector<16xi32>
    %sub3A_467 = arith.subi %div3A_440, %sub3A_466 : vector<16xi32>
    %select_n3A_468 = arith.select %and3A_464, %sub3A_467, %div3A_440 : vector<16xi1>, vector<16xi32>
    %min3A_469 = arith.constant 30 : i32
    %min3A_470 = vector.broadcast %min3A_469 : i32 to vector<16xi32>
    %min3A_471 = arith.minsi %select_n3A_468, %min3A_470 : vector<16xi32>
    %jit3A_472 = arith.constant 31 : i32
    %eq3A_473 = arith.constant 0 : i32
    %eq3A_474 = arith.cmpi eq, %jit3A_472, %eq3A_473 : i32
    %jit3A_475 = arith.constant 1 : i32
    %select_n3A_476 = arith.select %eq3A_474, %jit3A_475, %jit3A_472 : i32
    %rem3A_477 = vector.broadcast %select_n3A_476 : i32 to vector<16xi32>
    %rem3A_478 = arith.remsi %add3A_437, %rem3A_477 : vector<16xi32>
    %ne3A_479 = arith.constant 0 : i32
    %ne3A_480 = vector.broadcast %ne3A_479 : i32 to vector<16xi32>
    %ne3A_481 = arith.cmpi ne, %rem3A_478, %ne3A_480 : vector<16xi32>
    %lt3A_482 = arith.constant 0 : i32
    %lt3A_483 = vector.broadcast %lt3A_482 : i32 to vector<16xi32>
    %lt3A_484 = arith.cmpi slt, %rem3A_478, %lt3A_483 : vector<16xi32>
    %lt3A_485 = arith.constant 0 : i32
    %lt3A_486 = arith.cmpi slt, %select_n3A_476, %lt3A_485 : i32
    %ne3A_487 = vector.broadcast %lt3A_486 : i1 to vector<16xi1>
    %ne3A_488 = vector.broadcast %ne3A_487 : vector<16xi1> to vector<16xi1>
    %ne3A_489 = arith.xori %lt3A_484, %ne3A_488 : vector<16xi1>
    %and3A_490 = arith.andi %ne3A_489, %ne3A_481 : vector<16xi1>
    %add3A_491 = vector.broadcast %select_n3A_476 : i32 to vector<16xi32>
    %add3A_492 = arith.addi %rem3A_478, %add3A_491 : vector<16xi32>
    %select_n3A_493 = arith.select %and3A_490, %add3A_492, %rem3A_478 : vector<16xi1>, vector<16xi32>
    %mul3A_494 = arith.constant 10 : i32
    %mul3A_495 = vector.broadcast %mul3A_494 : i32 to vector<16xi32>
    %mul3A_496 = arith.muli %min3A_471, %mul3A_495 : vector<16xi32>
    %mul3A_497 = arith.constant 10 : i32
    %mul3A_498 = vector.broadcast %mul3A_497 : i32 to vector<16xi32>
    %mul3A_499 = arith.muli %select_n3A_493, %mul3A_498 : vector<16xi32>
    %broadcast_in_dim3A_500 = arith.constant 9.99999996E-13 : f32
    %broadcast_in_dim3A_501 = vector.broadcast %broadcast_in_dim3A_500 : f32 to vector<16xf32>
    %add3A_502 = arith.constant 0 : i32
    %add3A_503 = vector.broadcast %add3A_502 : i32 to vector<16xi32>
    %add3A_504 = arith.addi %mul3A_496, %add3A_503 : vector<16xi32>
    %gather3A_505 = tpu.vector_load_idx %arg6[%add3A_504] : memref<310xf32, #tpu.memory_space<vmem>>[vector<16xi32>], vector<16xf32>,
    %add3A_506 = arith.constant 0 : i32
    %add3A_507 = vector.broadcast %add3A_506 : i32 to vector<16xi32>
    %add3A_508 = arith.addi %mul3A_499, %add3A_507 : vector<16xi32>
    %gather3A_509 = tpu.vector_load_idx %arg6[%add3A_508] : memref<310xf32, #tpu.memory_space<vmem>>[vector<16xi32>], vector<16xf32>,
    %sub3A_510 = arith.subf %gather3A_505, %gather3A_509 : vector<16xf32>
    %mul3A_511 = arith.mulf %sub3A_510, %sub3A_510 : vector<16xf32>
    %add3A_512 = arith.addf %broadcast_in_dim3A_501, %mul3A_511 : vector<16xf32>
    %add3A_513 = arith.constant 1 : i32
    %add3A_514 = vector.broadcast %add3A_513 : i32 to vector<16xi32>
    %add3A_515 = arith.addi %mul3A_496, %add3A_514 : vector<16xi32>
    %gather3A_516 = tpu.vector_load_idx %arg6[%add3A_515] : memref<310xf32, #tpu.memory_space<vmem>>[vector<16xi32>], vector<16xf32>,
    %add3A_517 = arith.constant 1 : i32
    %add3A_518 = vector.broadcast %add3A_517 : i32 to vector<16xi32>
    %add3A_519 = arith.addi %mul3A_499, %add3A_518 : vector<16xi32>
    %gather3A_520 = tpu.vector_load_idx %arg6[%add3A_519] : memref<310xf32, #tpu.memory_space<vmem>>[vector<16xi32>], vector<16xf32>,
    %sub3A_521 = arith.subf %gather3A_516, %gather3A_520 : vector<16xf32>
    %mul3A_522 = arith.mulf %sub3A_521, %sub3A_521 : vector<16xf32>
    %add3A_523 = arith.addf %add3A_512, %mul3A_522 : vector<16xf32>
    %add3A_524 = arith.constant 2 : i32
    %add3A_525 = vector.broadcast %add3A_524 : i32 to vector<16xi32>
    %add3A_526 = arith.addi %mul3A_496, %add3A_525 : vector<16xi32>
    %gather3A_527 = tpu.vector_load_idx %arg6[%add3A_526] : memref<310xf32, #tpu.memory_space<vmem>>[vector<16xi32>], vector<16xf32>,
    %add3A_528 = arith.constant 2 : i32
    %add3A_529 = vector.broadcast %add3A_528 : i32 to vector<16xi32>
    %add3A_530 = arith.addi %mul3A_499, %add3A_529 : vector<16xi32>
    %gather3A_531 = tpu.vector_load_idx %arg6[%add3A_530] : memref<310xf32, #tpu.memory_space<vmem>>[vector<16xi32>], vector<16xf32>,
    %sub3A_532 = arith.subf %gather3A_527, %gather3A_531 : vector<16xf32>
    %mul3A_533 = arith.mulf %sub3A_532, %sub3A_532 : vector<16xf32>
    %add3A_534 = arith.addf %add3A_523, %mul3A_533 : vector<16xf32>
    %add3A_535 = arith.constant 3 : i32
    %add3A_536 = vector.broadcast %add3A_535 : i32 to vector<16xi32>
    %add3A_537 = arith.addi %mul3A_496, %add3A_536 : vector<16xi32>
    %gather3A_538 = tpu.vector_load_idx %arg6[%add3A_537] : memref<310xf32, #tpu.memory_space<vmem>>[vector<16xi32>], vector<16xf32>,
    %add3A_539 = arith.constant 3 : i32
    %add3A_540 = vector.broadcast %add3A_539 : i32 to vector<16xi32>
    %add3A_541 = arith.addi %mul3A_499, %add3A_540 : vector<16xi32>
    %gather3A_542 = tpu.vector_load_idx %arg6[%add3A_541] : memref<310xf32, #tpu.memory_space<vmem>>[vector<16xi32>], vector<16xf32>,
    %sub3A_543 = arith.subf %gather3A_538, %gather3A_542 : vector<16xf32>
    %mul3A_544 = arith.mulf %sub3A_543, %sub3A_543 : vector<16xf32>
    %add3A_545 = arith.addf %add3A_534, %mul3A_544 : vector<16xf32>
    %add3A_546 = arith.constant 4 : i32
    %add3A_547 = vector.broadcast %add3A_546 : i32 to vector<16xi32>
    %add3A_548 = arith.addi %mul3A_496, %add3A_547 : vector<16xi32>
    %gather3A_549 = tpu.vector_load_idx %arg6[%add3A_548] : memref<310xf32, #tpu.memory_space<vmem>>[vector<16xi32>], vector<16xf32>,
    %add3A_550 = arith.constant 4 : i32
    %add3A_551 = vector.broadcast %add3A_550 : i32 to vector<16xi32>
    %add3A_552 = arith.addi %mul3A_499, %add3A_551 : vector<16xi32>
    %gather3A_553 = tpu.vector_load_idx %arg6[%add3A_552] : memref<310xf32, #tpu.memory_space<vmem>>[vector<16xi32>], vector<16xf32>,
    %sub3A_554 = arith.subf %gather3A_549, %gather3A_553 : vector<16xf32>
    %mul3A_555 = arith.mulf %sub3A_554, %sub3A_554 : vector<16xf32>
    %add3A_556 = arith.addf %add3A_545, %mul3A_555 : vector<16xf32>
    %add3A_557 = arith.constant 5 : i32
    %add3A_558 = vector.broadcast %add3A_557 : i32 to vector<16xi32>
    %add3A_559 = arith.addi %mul3A_496, %add3A_558 : vector<16xi32>
    %gather3A_560 = tpu.vector_load_idx %arg6[%add3A_559] : memref<310xf32, #tpu.memory_space<vmem>>[vector<16xi32>], vector<16xf32>,
    %add3A_561 = arith.constant 5 : i32
    %add3A_562 = vector.broadcast %add3A_561 : i32 to vector<16xi32>
    %add3A_563 = arith.addi %mul3A_499, %add3A_562 : vector<16xi32>
    %gather3A_564 = tpu.vector_load_idx %arg6[%add3A_563] : memref<310xf32, #tpu.memory_space<vmem>>[vector<16xi32>], vector<16xf32>,
    %sub3A_565 = arith.subf %gather3A_560, %gather3A_564 : vector<16xf32>
    %mul3A_566 = arith.mulf %sub3A_565, %sub3A_565 : vector<16xf32>
    %add3A_567 = arith.addf %add3A_556, %mul3A_566 : vector<16xf32>
    %add3A_568 = arith.constant 6 : i32
    %add3A_569 = vector.broadcast %add3A_568 : i32 to vector<16xi32>
    %add3A_570 = arith.addi %mul3A_496, %add3A_569 : vector<16xi32>
    %gather3A_571 = tpu.vector_load_idx %arg6[%add3A_570] : memref<310xf32, #tpu.memory_space<vmem>>[vector<16xi32>], vector<16xf32>,
    %add3A_572 = arith.constant 6 : i32
    %add3A_573 = vector.broadcast %add3A_572 : i32 to vector<16xi32>
    %add3A_574 = arith.addi %mul3A_499, %add3A_573 : vector<16xi32>
    %gather3A_575 = tpu.vector_load_idx %arg6[%add3A_574] : memref<310xf32, #tpu.memory_space<vmem>>[vector<16xi32>], vector<16xf32>,
    %sub3A_576 = arith.subf %gather3A_571, %gather3A_575 : vector<16xf32>
    %mul3A_577 = arith.mulf %sub3A_576, %sub3A_576 : vector<16xf32>
    %add3A_578 = arith.addf %add3A_567, %mul3A_577 : vector<16xf32>
    %add3A_579 = arith.constant 7 : i32
    %add3A_580 = vector.broadcast %add3A_579 : i32 to vector<16xi32>
    %add3A_581 = arith.addi %mul3A_496, %add3A_580 : vector<16xi32>
    %gather3A_582 = tpu.vector_load_idx %arg6[%add3A_581] : memref<310xf32, #tpu.memory_space<vmem>>[vector<16xi32>], vector<16xf32>,
    %add3A_583 = arith.constant 7 : i32
    %add3A_584 = vector.broadcast %add3A_583 : i32 to vector<16xi32>
    %add3A_585 = arith.addi %mul3A_499, %add3A_584 : vector<16xi32>
    %gather3A_586 = tpu.vector_load_idx %arg6[%add3A_585] : memref<310xf32, #tpu.memory_space<vmem>>[vector<16xi32>], vector<16xf32>,
    %sub3A_587 = arith.subf %gather3A_582, %gather3A_586 : vector<16xf32>
    %mul3A_588 = arith.mulf %sub3A_587, %sub3A_587 : vector<16xf32>
    %add3A_589 = arith.addf %add3A_578, %mul3A_588 : vector<16xf32>
    %add3A_590 = arith.constant 8 : i32
    %add3A_591 = vector.broadcast %add3A_590 : i32 to vector<16xi32>
    %add3A_592 = arith.addi %mul3A_496, %add3A_591 : vector<16xi32>
    %gather3A_593 = tpu.vector_load_idx %arg6[%add3A_592] : memref<310xf32, #tpu.memory_space<vmem>>[vector<16xi32>], vector<16xf32>,
    %add3A_594 = arith.constant 8 : i32
    %add3A_595 = vector.broadcast %add3A_594 : i32 to vector<16xi32>
    %add3A_596 = arith.addi %mul3A_499, %add3A_595 : vector<16xi32>
    %gather3A_597 = tpu.vector_load_idx %arg6[%add3A_596] : memref<310xf32, #tpu.memory_space<vmem>>[vector<16xi32>], vector<16xf32>,
    %sub3A_598 = arith.subf %gather3A_593, %gather3A_597 : vector<16xf32>
    %mul3A_599 = arith.mulf %sub3A_598, %sub3A_598 : vector<16xf32>
    %add3A_600 = arith.addf %add3A_589, %mul3A_599 : vector<16xf32>
    %add3A_601 = arith.constant 9 : i32
    %add3A_602 = vector.broadcast %add3A_601 : i32 to vector<16xi32>
    %add3A_603 = arith.addi %mul3A_496, %add3A_602 : vector<16xi32>
    %gather3A_604 = tpu.vector_load_idx %arg6[%add3A_603] : memref<310xf32, #tpu.memory_space<vmem>>[vector<16xi32>], vector<16xf32>,
    %add3A_605 = arith.constant 9 : i32
    %add3A_606 = vector.broadcast %add3A_605 : i32 to vector<16xi32>
    %add3A_607 = arith.addi %mul3A_499, %add3A_606 : vector<16xi32>
    %gather3A_608 = tpu.vector_load_idx %arg6[%add3A_607] : memref<310xf32, #tpu.memory_space<vmem>>[vector<16xi32>], vector<16xf32>,
    %sub3A_609 = arith.subf %gather3A_604, %gather3A_608 : vector<16xf32>
    %mul3A_610 = arith.mulf %sub3A_609, %sub3A_609 : vector<16xf32>
    %add3A_611 = arith.addf %add3A_600, %mul3A_610 : vector<16xf32>
    %bitcast_convert_type3A_612 = tpu.bitcast %add3A_611 : vector<16xf32> -> vector<16xi32>
    %shift_right_logical3A_613 = arith.constant 1 : i32
    %shift_right_logical3A_614 = vector.broadcast %shift_right_logical3A_613 : i32 to vector<16xi32>
    %shift_right_logical3A_615 = arith.shrui %bitcast_convert_type3A_612, %shift_right_logical3A_614 : vector<16xi32>
    %sub3A_616 = arith.constant 1597463007 : i32
    %sub3A_617 = vector.broadcast %sub3A_616 : i32 to vector<16xi32>
    %sub3A_618 = arith.subi %sub3A_617, %shift_right_logical3A_615 : vector<16xi32>
    %bitcast_convert_type3A_619 = tpu.bitcast %sub3A_618 : vector<16xi32> -> vector<16xf32>
    %mul3A_620 = arith.constant 5.000000e-01 : f32
    %mul3A_621 = vector.broadcast %mul3A_620 : f32 to vector<16xf32>
    %mul3A_622 = arith.mulf %mul3A_621, %add3A_611 : vector<16xf32>
    %mul3A_623 = arith.mulf %mul3A_622, %bitcast_convert_type3A_619 : vector<16xf32>
    %mul3A_624 = arith.mulf %mul3A_623, %bitcast_convert_type3A_619 : vector<16xf32>
    %sub3A_625 = arith.constant 1.500000e+00 : f32
    %sub3A_626 = vector.broadcast %sub3A_625 : f32 to vector<16xf32>
    %sub3A_627 = arith.subf %sub3A_626, %mul3A_624 : vector<16xf32>
    %mul3A_628 = arith.mulf %bitcast_convert_type3A_619, %sub3A_627 : vector<16xf32>
    %mul3A_629 = arith.constant 5.000000e-01 : f32
    %mul3A_630 = vector.broadcast %mul3A_629 : f32 to vector<16xf32>
    %mul3A_631 = arith.mulf %mul3A_630, %add3A_611 : vector<16xf32>
    %mul3A_632 = arith.mulf %mul3A_631, %mul3A_628 : vector<16xf32>
    %mul3A_633 = arith.mulf %mul3A_632, %mul3A_628 : vector<16xf32>
    %sub3A_634 = arith.constant 1.500000e+00 : f32
    %sub3A_635 = vector.broadcast %sub3A_634 : f32 to vector<16xf32>
    %sub3A_636 = arith.subf %sub3A_635, %mul3A_633 : vector<16xf32>
    %mul3A_637 = arith.mulf %mul3A_628, %sub3A_636 : vector<16xf32>
    %mul3A_638 = arith.mulf %add3A_611, %mul3A_637 : vector<16xf32>
    %mul3A_639 = arith.constant -3.000000e+00 : f32
    %mul3A_640 = vector.broadcast %mul3A_639 : f32 to vector<16xf32>
    %mul3A_641 = arith.mulf %mul3A_640, %mul3A_638 : vector<16xf32>
    %exp3A_642 = math.exp %mul3A_641 : vector<16xf32>
    %neg3A_643 = arith.constant 0.000000e+00 : f32
    %neg3A_644 = vector.broadcast %neg3A_643 : f32 to vector<16xf32>
    %neg3A_645 = arith.subf %neg3A_644, %exp3A_642 : vector<16xf32>
    %exp3A_646 = math.exp %neg3A_645 : vector<16xf32>
    %add3A_647 = arith.constant 1.000000e+00 : f32
    %add3A_648 = vector.broadcast %add3A_647 : f32 to vector<16xf32>
    %add3A_649 = arith.addf %add3A_648, %exp3A_646 : vector<16xf32>
    %div3A_650 = arith.constant 1.000000e+00 : f32
    %div3A_651 = vector.broadcast %div3A_650 : f32 to vector<16xf32>
    %div3A_652 = arith.divf %div3A_651, %add3A_649 : vector<16xf32>
    %swap3A_653 = arith.constant 32 : index
    %swap3A_654 = tpu.vector_load %arg7[%swap3A_653] {strides = array<i32>} : memref<64xf32, #tpu.memory_space<vmem>>, vector<16xf32>,
    tpu.vector_store %arg7[%swap3A_653], %div3A_652 {strides = array<i32>} : memref<64xf32, #tpu.memory_space<vmem>>, vector<16xf32>,
    %mul3A_655 = arith.constant 64 : i32
    %mul3A_656 = arith.muli %arg1, %mul3A_655 : i32
    %add3A_657 = arith.constant 48 : i32
    %add3A_658 = arith.addi %mul3A_656, %add3A_657 : i32
    %add3A_659 = vector.broadcast %add3A_658 : i32 to vector<16xi32>
    %add3A_660 = arith.addi %add3A_659, %iota3A : vector<16xi32>
    %jit3A_661 = arith.constant 31 : i32
    %div3A_662 = vector.broadcast %jit3A_661 : i32 to vector<16xi32>
    %div3A_663 = arith.divsi %add3A_660, %div3A_662 : vector<16xi32>
    %sign3A_664 = arith.constant 0 : i32
    %sign3A_665 = vector.broadcast %sign3A_664 : i32 to vector<16xi32>
    %sign3A_666 = arith.cmpi sgt, %add3A_660, %sign3A_665 : vector<16xi32>
    %sign3A_667 = arith.extui %sign3A_666 : vector<16xi1> to vector<16xi32>
    %sign3A_668 = arith.constant 0 : i32
    %sign3A_669 = vector.broadcast %sign3A_668 : i32 to vector<16xi32>
    %sign3A_670 = arith.cmpi slt, %add3A_660, %sign3A_669 : vector<16xi32>
    %sign3A_671 = arith.extui %sign3A_670 : vector<16xi1> to vector<16xi32>
    %sign3A_672 = arith.subi %sign3A_667, %sign3A_671 : vector<16xi32>
    %sign3A_673 = arith.constant 0 : i32
    %sign3A_674 = arith.cmpi sgt, %jit3A_661, %sign3A_673 : i32
    %sign3A_675 = arith.extui %sign3A_674 : i1 to i32
    %sign3A_676 = arith.constant 0 : i32
    %sign3A_677 = arith.cmpi slt, %jit3A_661, %sign3A_676 : i32
    %sign3A_678 = arith.extui %sign3A_677 : i1 to i32
    %sign3A_679 = arith.subi %sign3A_675, %sign3A_678 : i32
    %ne3A_680 = vector.broadcast %sign3A_679 : i32 to vector<16xi32>
    %ne3A_681 = arith.cmpi ne, %sign3A_672, %ne3A_680 : vector<16xi32>
    %rem3A_682 = vector.broadcast %jit3A_661 : i32 to vector<16xi32>
    %rem3A_683 = arith.remsi %add3A_660, %rem3A_682 : vector<16xi32>
    %ne3A_684 = arith.constant 0 : i32
    %ne3A_685 = vector.broadcast %ne3A_684 : i32 to vector<16xi32>
    %ne3A_686 = arith.cmpi ne, %rem3A_683, %ne3A_685 : vector<16xi32>
    %and3A_687 = arith.andi %ne3A_681, %ne3A_686 : vector<16xi1>
    %sub3A_688 = arith.constant 1 : i32
    %sub3A_689 = vector.broadcast %sub3A_688 : i32 to vector<16xi32>
    %sub3A_690 = arith.subi %div3A_663, %sub3A_689 : vector<16xi32>
    %select_n3A_691 = arith.select %and3A_687, %sub3A_690, %div3A_663 : vector<16xi1>, vector<16xi32>
    %min3A_692 = arith.constant 30 : i32
    %min3A_693 = vector.broadcast %min3A_692 : i32 to vector<16xi32>
    %min3A_694 = arith.minsi %select_n3A_691, %min3A_693 : vector<16xi32>
    %jit3A_695 = arith.constant 31 : i32
    %eq3A_696 = arith.constant 0 : i32
    %eq3A_697 = arith.cmpi eq, %jit3A_695, %eq3A_696 : i32
    %jit3A_698 = arith.constant 1 : i32
    %select_n3A_699 = arith.select %eq3A_697, %jit3A_698, %jit3A_695 : i32
    %rem3A_700 = vector.broadcast %select_n3A_699 : i32 to vector<16xi32>
    %rem3A_701 = arith.remsi %add3A_660, %rem3A_700 : vector<16xi32>
    %ne3A_702 = arith.constant 0 : i32
    %ne3A_703 = vector.broadcast %ne3A_702 : i32 to vector<16xi32>
    %ne3A_704 = arith.cmpi ne, %rem3A_701, %ne3A_703 : vector<16xi32>
    %lt3A_705 = arith.constant 0 : i32
    %lt3A_706 = vector.broadcast %lt3A_705 : i32 to vector<16xi32>
    %lt3A_707 = arith.cmpi slt, %rem3A_701, %lt3A_706 : vector<16xi32>
    %lt3A_708 = arith.constant 0 : i32
    %lt3A_709 = arith.cmpi slt, %select_n3A_699, %lt3A_708 : i32
    %ne3A_710 = vector.broadcast %lt3A_709 : i1 to vector<16xi1>
    %ne3A_711 = vector.broadcast %ne3A_710 : vector<16xi1> to vector<16xi1>
    %ne3A_712 = arith.xori %lt3A_707, %ne3A_711 : vector<16xi1>
    %and3A_713 = arith.andi %ne3A_712, %ne3A_704 : vector<16xi1>
    %add3A_714 = vector.broadcast %select_n3A_699 : i32 to vector<16xi32>
    %add3A_715 = arith.addi %rem3A_701, %add3A_714 : vector<16xi32>
    %select_n3A_716 = arith.select %and3A_713, %add3A_715, %rem3A_701 : vector<16xi1>, vector<16xi32>
    %mul3A_717 = arith.constant 10 : i32
    %mul3A_718 = vector.broadcast %mul3A_717 : i32 to vector<16xi32>
    %mul3A_719 = arith.muli %min3A_694, %mul3A_718 : vector<16xi32>
    %mul3A_720 = arith.constant 10 : i32
    %mul3A_721 = vector.broadcast %mul3A_720 : i32 to vector<16xi32>
    %mul3A_722 = arith.muli %select_n3A_716, %mul3A_721 : vector<16xi32>
    %broadcast_in_dim3A_723 = arith.constant 9.99999996E-13 : f32
    %broadcast_in_dim3A_724 = vector.broadcast %broadcast_in_dim3A_723 : f32 to vector<16xf32>
    %add3A_725 = arith.constant 0 : i32
    %add3A_726 = vector.broadcast %add3A_725 : i32 to vector<16xi32>
    %add3A_727 = arith.addi %mul3A_719, %add3A_726 : vector<16xi32>
    %gather3A_728 = tpu.vector_load_idx %arg6[%add3A_727] : memref<310xf32, #tpu.memory_space<vmem>>[vector<16xi32>], vector<16xf32>,
    %add3A_729 = arith.constant 0 : i32
    %add3A_730 = vector.broadcast %add3A_729 : i32 to vector<16xi32>
    %add3A_731 = arith.addi %mul3A_722, %add3A_730 : vector<16xi32>
    %gather3A_732 = tpu.vector_load_idx %arg6[%add3A_731] : memref<310xf32, #tpu.memory_space<vmem>>[vector<16xi32>], vector<16xf32>,
    %sub3A_733 = arith.subf %gather3A_728, %gather3A_732 : vector<16xf32>
    %mul3A_734 = arith.mulf %sub3A_733, %sub3A_733 : vector<16xf32>
    %add3A_735 = arith.addf %broadcast_in_dim3A_724, %mul3A_734 : vector<16xf32>
    %add3A_736 = arith.constant 1 : i32
    %add3A_737 = vector.broadcast %add3A_736 : i32 to vector<16xi32>
    %add3A_738 = arith.addi %mul3A_719, %add3A_737 : vector<16xi32>
    %gather3A_739 = tpu.vector_load_idx %arg6[%add3A_738] : memref<310xf32, #tpu.memory_space<vmem>>[vector<16xi32>], vector<16xf32>,
    %add3A_740 = arith.constant 1 : i32
    %add3A_741 = vector.broadcast %add3A_740 : i32 to vector<16xi32>
    %add3A_742 = arith.addi %mul3A_722, %add3A_741 : vector<16xi32>
    %gather3A_743 = tpu.vector_load_idx %arg6[%add3A_742] : memref<310xf32, #tpu.memory_space<vmem>>[vector<16xi32>], vector<16xf32>,
    %sub3A_744 = arith.subf %gather3A_739, %gather3A_743 : vector<16xf32>
    %mul3A_745 = arith.mulf %sub3A_744, %sub3A_744 : vector<16xf32>
    %add3A_746 = arith.addf %add3A_735, %mul3A_745 : vector<16xf32>
    %add3A_747 = arith.constant 2 : i32
    %add3A_748 = vector.broadcast %add3A_747 : i32 to vector<16xi32>
    %add3A_749 = arith.addi %mul3A_719, %add3A_748 : vector<16xi32>
    %gather3A_750 = tpu.vector_load_idx %arg6[%add3A_749] : memref<310xf32, #tpu.memory_space<vmem>>[vector<16xi32>], vector<16xf32>,
    %add3A_751 = arith.constant 2 : i32
    %add3A_752 = vector.broadcast %add3A_751 : i32 to vector<16xi32>
    %add3A_753 = arith.addi %mul3A_722, %add3A_752 : vector<16xi32>
    %gather3A_754 = tpu.vector_load_idx %arg6[%add3A_753] : memref<310xf32, #tpu.memory_space<vmem>>[vector<16xi32>], vector<16xf32>,
    %sub3A_755 = arith.subf %gather3A_750, %gather3A_754 : vector<16xf32>
    %mul3A_756 = arith.mulf %sub3A_755, %sub3A_755 : vector<16xf32>
    %add3A_757 = arith.addf %add3A_746, %mul3A_756 : vector<16xf32>
    %add3A_758 = arith.constant 3 : i32
    %add3A_759 = vector.broadcast %add3A_758 : i32 to vector<16xi32>
    %add3A_760 = arith.addi %mul3A_719, %add3A_759 : vector<16xi32>
    %gather3A_761 = tpu.vector_load_idx %arg6[%add3A_760] : memref<310xf32, #tpu.memory_space<vmem>>[vector<16xi32>], vector<16xf32>,
    %add3A_762 = arith.constant 3 : i32
    %add3A_763 = vector.broadcast %add3A_762 : i32 to vector<16xi32>
    %add3A_764 = arith.addi %mul3A_722, %add3A_763 : vector<16xi32>
    %gather3A_765 = tpu.vector_load_idx %arg6[%add3A_764] : memref<310xf32, #tpu.memory_space<vmem>>[vector<16xi32>], vector<16xf32>,
    %sub3A_766 = arith.subf %gather3A_761, %gather3A_765 : vector<16xf32>
    %mul3A_767 = arith.mulf %sub3A_766, %sub3A_766 : vector<16xf32>
    %add3A_768 = arith.addf %add3A_757, %mul3A_767 : vector<16xf32>
    %add3A_769 = arith.constant 4 : i32
    %add3A_770 = vector.broadcast %add3A_769 : i32 to vector<16xi32>
    %add3A_771 = arith.addi %mul3A_719, %add3A_770 : vector<16xi32>
    %gather3A_772 = tpu.vector_load_idx %arg6[%add3A_771] : memref<310xf32, #tpu.memory_space<vmem>>[vector<16xi32>], vector<16xf32>,
    %add3A_773 = arith.constant 4 : i32
    %add3A_774 = vector.broadcast %add3A_773 : i32 to vector<16xi32>
    %add3A_775 = arith.addi %mul3A_722, %add3A_774 : vector<16xi32>
    %gather3A_776 = tpu.vector_load_idx %arg6[%add3A_775] : memref<310xf32, #tpu.memory_space<vmem>>[vector<16xi32>], vector<16xf32>,
    %sub3A_777 = arith.subf %gather3A_772, %gather3A_776 : vector<16xf32>
    %mul3A_778 = arith.mulf %sub3A_777, %sub3A_777 : vector<16xf32>
    %add3A_779 = arith.addf %add3A_768, %mul3A_778 : vector<16xf32>
    %add3A_780 = arith.constant 5 : i32
    %add3A_781 = vector.broadcast %add3A_780 : i32 to vector<16xi32>
    %add3A_782 = arith.addi %mul3A_719, %add3A_781 : vector<16xi32>
    %gather3A_783 = tpu.vector_load_idx %arg6[%add3A_782] : memref<310xf32, #tpu.memory_space<vmem>>[vector<16xi32>], vector<16xf32>,
    %add3A_784 = arith.constant 5 : i32
    %add3A_785 = vector.broadcast %add3A_784 : i32 to vector<16xi32>
    %add3A_786 = arith.addi %mul3A_722, %add3A_785 : vector<16xi32>
    %gather3A_787 = tpu.vector_load_idx %arg6[%add3A_786] : memref<310xf32, #tpu.memory_space<vmem>>[vector<16xi32>], vector<16xf32>,
    %sub3A_788 = arith.subf %gather3A_783, %gather3A_787 : vector<16xf32>
    %mul3A_789 = arith.mulf %sub3A_788, %sub3A_788 : vector<16xf32>
    %add3A_790 = arith.addf %add3A_779, %mul3A_789 : vector<16xf32>
    %add3A_791 = arith.constant 6 : i32
    %add3A_792 = vector.broadcast %add3A_791 : i32 to vector<16xi32>
    %add3A_793 = arith.addi %mul3A_719, %add3A_792 : vector<16xi32>
    %gather3A_794 = tpu.vector_load_idx %arg6[%add3A_793] : memref<310xf32, #tpu.memory_space<vmem>>[vector<16xi32>], vector<16xf32>,
    %add3A_795 = arith.constant 6 : i32
    %add3A_796 = vector.broadcast %add3A_795 : i32 to vector<16xi32>
    %add3A_797 = arith.addi %mul3A_722, %add3A_796 : vector<16xi32>
    %gather3A_798 = tpu.vector_load_idx %arg6[%add3A_797] : memref<310xf32, #tpu.memory_space<vmem>>[vector<16xi32>], vector<16xf32>,
    %sub3A_799 = arith.subf %gather3A_794, %gather3A_798 : vector<16xf32>
    %mul3A_800 = arith.mulf %sub3A_799, %sub3A_799 : vector<16xf32>
    %add3A_801 = arith.addf %add3A_790, %mul3A_800 : vector<16xf32>
    %add3A_802 = arith.constant 7 : i32
    %add3A_803 = vector.broadcast %add3A_802 : i32 to vector<16xi32>
    %add3A_804 = arith.addi %mul3A_719, %add3A_803 : vector<16xi32>
    %gather3A_805 = tpu.vector_load_idx %arg6[%add3A_804] : memref<310xf32, #tpu.memory_space<vmem>>[vector<16xi32>], vector<16xf32>,
    %add3A_806 = arith.constant 7 : i32
    %add3A_807 = vector.broadcast %add3A_806 : i32 to vector<16xi32>
    %add3A_808 = arith.addi %mul3A_722, %add3A_807 : vector<16xi32>
    %gather3A_809 = tpu.vector_load_idx %arg6[%add3A_808] : memref<310xf32, #tpu.memory_space<vmem>>[vector<16xi32>], vector<16xf32>,
    %sub3A_810 = arith.subf %gather3A_805, %gather3A_809 : vector<16xf32>
    %mul3A_811 = arith.mulf %sub3A_810, %sub3A_810 : vector<16xf32>
    %add3A_812 = arith.addf %add3A_801, %mul3A_811 : vector<16xf32>
    %add3A_813 = arith.constant 8 : i32
    %add3A_814 = vector.broadcast %add3A_813 : i32 to vector<16xi32>
    %add3A_815 = arith.addi %mul3A_719, %add3A_814 : vector<16xi32>
    %gather3A_816 = tpu.vector_load_idx %arg6[%add3A_815] : memref<310xf32, #tpu.memory_space<vmem>>[vector<16xi32>], vector<16xf32>,
    %add3A_817 = arith.constant 8 : i32
    %add3A_818 = vector.broadcast %add3A_817 : i32 to vector<16xi32>
    %add3A_819 = arith.addi %mul3A_722, %add3A_818 : vector<16xi32>
    %gather3A_820 = tpu.vector_load_idx %arg6[%add3A_819] : memref<310xf32, #tpu.memory_space<vmem>>[vector<16xi32>], vector<16xf32>,
    %sub3A_821 = arith.subf %gather3A_816, %gather3A_820 : vector<16xf32>
    %mul3A_822 = arith.mulf %sub3A_821, %sub3A_821 : vector<16xf32>
    %add3A_823 = arith.addf %add3A_812, %mul3A_822 : vector<16xf32>
    %add3A_824 = arith.constant 9 : i32
    %add3A_825 = vector.broadcast %add3A_824 : i32 to vector<16xi32>
    %add3A_826 = arith.addi %mul3A_719, %add3A_825 : vector<16xi32>
    %gather3A_827 = tpu.vector_load_idx %arg6[%add3A_826] : memref<310xf32, #tpu.memory_space<vmem>>[vector<16xi32>], vector<16xf32>,
    %add3A_828 = arith.constant 9 : i32
    %add3A_829 = vector.broadcast %add3A_828 : i32 to vector<16xi32>
    %add3A_830 = arith.addi %mul3A_722, %add3A_829 : vector<16xi32>
    %gather3A_831 = tpu.vector_load_idx %arg6[%add3A_830] : memref<310xf32, #tpu.memory_space<vmem>>[vector<16xi32>], vector<16xf32>,
    %sub3A_832 = arith.subf %gather3A_827, %gather3A_831 : vector<16xf32>
    %mul3A_833 = arith.mulf %sub3A_832, %sub3A_832 : vector<16xf32>
    %add3A_834 = arith.addf %add3A_823, %mul3A_833 : vector<16xf32>
    %bitcast_convert_type3A_835 = tpu.bitcast %add3A_834 : vector<16xf32> -> vector<16xi32>
    %shift_right_logical3A_836 = arith.constant 1 : i32
    %shift_right_logical3A_837 = vector.broadcast %shift_right_logical3A_836 : i32 to vector<16xi32>
    %shift_right_logical3A_838 = arith.shrui %bitcast_convert_type3A_835, %shift_right_logical3A_837 : vector<16xi32>
    %sub3A_839 = arith.constant 1597463007 : i32
    %sub3A_840 = vector.broadcast %sub3A_839 : i32 to vector<16xi32>
    %sub3A_841 = arith.subi %sub3A_840, %shift_right_logical3A_838 : vector<16xi32>
    %bitcast_convert_type3A_842 = tpu.bitcast %sub3A_841 : vector<16xi32> -> vector<16xf32>
    %mul3A_843 = arith.constant 5.000000e-01 : f32
    %mul3A_844 = vector.broadcast %mul3A_843 : f32 to vector<16xf32>
    %mul3A_845 = arith.mulf %mul3A_844, %add3A_834 : vector<16xf32>
    %mul3A_846 = arith.mulf %mul3A_845, %bitcast_convert_type3A_842 : vector<16xf32>
    %mul3A_847 = arith.mulf %mul3A_846, %bitcast_convert_type3A_842 : vector<16xf32>
    %sub3A_848 = arith.constant 1.500000e+00 : f32
    %sub3A_849 = vector.broadcast %sub3A_848 : f32 to vector<16xf32>
    %sub3A_850 = arith.subf %sub3A_849, %mul3A_847 : vector<16xf32>
    %mul3A_851 = arith.mulf %bitcast_convert_type3A_842, %sub3A_850 : vector<16xf32>
    %mul3A_852 = arith.constant 5.000000e-01 : f32
    %mul3A_853 = vector.broadcast %mul3A_852 : f32 to vector<16xf32>
    %mul3A_854 = arith.mulf %mul3A_853, %add3A_834 : vector<16xf32>
    %mul3A_855 = arith.mulf %mul3A_854, %mul3A_851 : vector<16xf32>
    %mul3A_856 = arith.mulf %mul3A_855, %mul3A_851 : vector<16xf32>
    %sub3A_857 = arith.constant 1.500000e+00 : f32
    %sub3A_858 = vector.broadcast %sub3A_857 : f32 to vector<16xf32>
    %sub3A_859 = arith.subf %sub3A_858, %mul3A_856 : vector<16xf32>
    %mul3A_860 = arith.mulf %mul3A_851, %sub3A_859 : vector<16xf32>
    %mul3A_861 = arith.mulf %add3A_834, %mul3A_860 : vector<16xf32>
    %mul3A_862 = arith.constant -3.000000e+00 : f32
    %mul3A_863 = vector.broadcast %mul3A_862 : f32 to vector<16xf32>
    %mul3A_864 = arith.mulf %mul3A_863, %mul3A_861 : vector<16xf32>
    %exp3A_865 = math.exp %mul3A_864 : vector<16xf32>
    %neg3A_866 = arith.constant 0.000000e+00 : f32
    %neg3A_867 = vector.broadcast %neg3A_866 : f32 to vector<16xf32>
    %neg3A_868 = arith.subf %neg3A_867, %exp3A_865 : vector<16xf32>
    %exp3A_869 = math.exp %neg3A_868 : vector<16xf32>
    %add3A_870 = arith.constant 1.000000e+00 : f32
    %add3A_871 = vector.broadcast %add3A_870 : f32 to vector<16xf32>
    %add3A_872 = arith.addf %add3A_871, %exp3A_869 : vector<16xf32>
    %div3A_873 = arith.constant 1.000000e+00 : f32
    %div3A_874 = vector.broadcast %div3A_873 : f32 to vector<16xf32>
    %div3A_875 = arith.divf %div3A_874, %add3A_872 : vector<16xf32>
    %swap3A_876 = arith.constant 48 : index
    %swap3A_877 = tpu.vector_load %arg7[%swap3A_876] {strides = array<i32>} : memref<64xf32, #tpu.memory_space<vmem>>, vector<16xf32>,
    tpu.vector_store %arg7[%swap3A_876], %div3A_875 {strides = array<i32>} : memref<64xf32, #tpu.memory_space<vmem>>, vector<16xf32>,
    %mul3A_878 = arith.constant 64 : i32
    %mul3A_879 = arith.muli %arg1, %mul3A_878 : i32
    "tpu.region"() ({
      %run_scoped3A = tpu.sem_alloc : memref<!tpu.dma_semaphore, #tpu.memory_space<semaphore_mem>>
      %dma_start3A_1256 = tpu.memref_slice %arg10[%mul3A_879] : memref<1024xf32, #tpu.memory_space<vmem_shared>> -> memref<64xf32, #tpu.memory_space<vmem_shared>>
      %dma_start3A_1257 = tpu.memref_slice %arg10[%mul3A_879] : memref<1024xf32, #tpu.memory_space<vmem_shared>> -> memref<64xf32, #tpu.memory_space<vmem_shared>>
      tpu.enqueue_dma source(%arg7 : memref<64xf32, #tpu.memory_space<vmem>>) target(%dma_start3A_1257 : memref<64xf32, #tpu.memory_space<vmem_shared>>) target_semaphore(%run_scoped3A : memref<!tpu.dma_semaphore, #tpu.memory_space<semaphore_mem>>)
      %dma_wait3A_1258 = tpu.memref_slice %arg10[%mul3A_879] : memref<1024xf32, #tpu.memory_space<vmem_shared>> -> memref<64xf32, #tpu.memory_space<vmem_shared>>
      %dma_wait3A_1259 = tpu.memref_slice %arg10[%mul3A_879] : memref<1024xf32, #tpu.memory_space<vmem_shared>> -> memref<64xf32, #tpu.memory_space<vmem_shared>>
      tpu.wait_dma2 semaphore(%run_scoped3A : memref<!tpu.dma_semaphore, #tpu.memory_space<semaphore_mem>>) src(%arg7 : memref<64xf32, #tpu.memory_space<vmem>>) dst(%dma_wait3A_1259 : memref<64xf32, #tpu.memory_space<vmem_shared>>)
      tpu.yield
    }) : () -> ()
    %barrier3A = arith.constant 0 : index
    tpu.barrier barrier_id(%barrier3A)
    "tpu.region"() ({
      %run_scoped3A = tpu.sem_alloc : memref<!tpu.dma_semaphore, #tpu.memory_space<semaphore_mem>>
      %dma_start3A_1256 = arith.constant 0 : i32
      %dma_start3A_1257 = tpu.memref_slice %arg8[%dma_start3A_1256] : memref<1024xf32, #tpu.memory_space<vmem>> -> memref<968xf32, #tpu.memory_space<vmem>>
      %dma_start3A_1258 = arith.constant 0 : i32
      %dma_start3A_1259 = tpu.memref_slice %arg10[%dma_start3A_1258] : memref<1024xf32, #tpu.memory_space<vmem_shared>> -> memref<968xf32, #tpu.memory_space<vmem_shared>>
      %dma_start3A_1260 = arith.constant 0 : i32
      %dma_start3A_1261 = tpu.memref_slice %arg8[%dma_start3A_1260] : memref<1024xf32, #tpu.memory_space<vmem>> -> memref<968xf32, #tpu.memory_space<vmem>>
      %dma_start3A_1262 = arith.constant 0 : i32
      %dma_start3A_1263 = tpu.memref_slice %arg10[%dma_start3A_1262] : memref<1024xf32, #tpu.memory_space<vmem_shared>> -> memref<968xf32, #tpu.memory_space<vmem_shared>>
      tpu.enqueue_dma source(%dma_start3A_1263 : memref<968xf32, #tpu.memory_space<vmem_shared>>) target(%dma_start3A_1261 : memref<968xf32, #tpu.memory_space<vmem>>) target_semaphore(%run_scoped3A : memref<!tpu.dma_semaphore, #tpu.memory_space<semaphore_mem>>)
      %dma_wait3A_1264 = arith.constant 0 : i32
      %dma_wait3A_1265 = tpu.memref_slice %arg8[%dma_wait3A_1264] : memref<1024xf32, #tpu.memory_space<vmem>> -> memref<968xf32, #tpu.memory_space<vmem>>
      %dma_wait3A_1266 = arith.constant 0 : i32
      %dma_wait3A_1267 = tpu.memref_slice %arg10[%dma_wait3A_1266] : memref<1024xf32, #tpu.memory_space<vmem_shared>> -> memref<968xf32, #tpu.memory_space<vmem_shared>>
      %dma_wait3A_1268 = arith.constant 0 : i32
      %dma_wait3A_1269 = tpu.memref_slice %arg8[%dma_wait3A_1268] : memref<1024xf32, #tpu.memory_space<vmem>> -> memref<968xf32, #tpu.memory_space<vmem>>
      %dma_wait3A_1270 = arith.constant 0 : i32
      %dma_wait3A_1271 = tpu.memref_slice %arg10[%dma_wait3A_1270] : memref<1024xf32, #tpu.memory_space<vmem_shared>> -> memref<968xf32, #tpu.memory_space<vmem_shared>>
      tpu.wait_dma2 semaphore(%run_scoped3A : memref<!tpu.dma_semaphore, #tpu.memory_space<semaphore_mem>>) src(%dma_wait3A_1271 : memref<968xf32, #tpu.memory_space<vmem_shared>>) dst(%dma_wait3A_1269 : memref<968xf32, #tpu.memory_space<vmem>>)
      tpu.yield
    }) : () -> ()
    %dma_wait3A = tpu.memref_slice %arg2[%mul3A_2] : memref<16384xi32, #tpu.memory_space<hbm>> -> memref<1024xi32, #tpu.memory_space<hbm>>
    %dma_wait3A_880 = tpu.memref_slice %arg2[%mul3A_2] : memref<16384xi32, #tpu.memory_space<hbm>> -> memref<1024xi32, #tpu.memory_space<hbm>>
    tpu.wait_dma2 semaphore(%arg12 : memref<!tpu.dma_semaphore, #tpu.memory_space<semaphore_mem>>) src(%dma_wait3A_880 : memref<1024xi32, #tpu.memory_space<hbm>>) dst(%arg5 : memref<1024xi32, #tpu.memory_space<vmem>>)
    %get3A = arith.constant 0 : index
    %get3A_881 = tpu.vector_load %arg5[%get3A] {strides = array<i32>} : memref<1024xi32, #tpu.memory_space<vmem>>, vector<16xi32>,
    %gather3A_882 = tpu.vector_load_idx %arg8[%get3A_881] : memref<1024xf32, #tpu.memory_space<vmem>>[vector<16xi32>], vector<16xf32>,
    %swap3A_883 = arith.constant 0 : index
    %swap3A_884 = tpu.vector_load %arg9[%swap3A_883] {strides = array<i32>} : memref<1024xf32, #tpu.memory_space<vmem>>, vector<16xf32>,
    tpu.vector_store %arg9[%swap3A_883], %gather3A_882 {strides = array<i32>} : memref<1024xf32, #tpu.memory_space<vmem>>, vector<16xf32>,
    %get3A_885 = arith.constant 16 : index
    %get3A_886 = tpu.vector_load %arg5[%get3A_885] {strides = array<i32>} : memref<1024xi32, #tpu.memory_space<vmem>>, vector<16xi32>,
    %gather3A_887 = tpu.vector_load_idx %arg8[%get3A_886] : memref<1024xf32, #tpu.memory_space<vmem>>[vector<16xi32>], vector<16xf32>,
    %swap3A_888 = arith.constant 16 : index
    %swap3A_889 = tpu.vector_load %arg9[%swap3A_888] {strides = array<i32>} : memref<1024xf32, #tpu.memory_space<vmem>>, vector<16xf32>,
    tpu.vector_store %arg9[%swap3A_888], %gather3A_887 {strides = array<i32>} : memref<1024xf32, #tpu.memory_space<vmem>>, vector<16xf32>,
    %get3A_890 = arith.constant 32 : index
    %get3A_891 = tpu.vector_load %arg5[%get3A_890] {strides = array<i32>} : memref<1024xi32, #tpu.memory_space<vmem>>, vector<16xi32>,
    %gather3A_892 = tpu.vector_load_idx %arg8[%get3A_891] : memref<1024xf32, #tpu.memory_space<vmem>>[vector<16xi32>], vector<16xf32>,
    %swap3A_893 = arith.constant 32 : index
    %swap3A_894 = tpu.vector_load %arg9[%swap3A_893] {strides = array<i32>} : memref<1024xf32, #tpu.memory_space<vmem>>, vector<16xf32>,
    tpu.vector_store %arg9[%swap3A_893], %gather3A_892 {strides = array<i32>} : memref<1024xf32, #tpu.memory_space<vmem>>, vector<16xf32>,
    %get3A_895 = arith.constant 48 : index
    %get3A_896 = tpu.vector_load %arg5[%get3A_895] {strides = array<i32>} : memref<1024xi32, #tpu.memory_space<vmem>>, vector<16xi32>,
    %gather3A_897 = tpu.vector_load_idx %arg8[%get3A_896] : memref<1024xf32, #tpu.memory_space<vmem>>[vector<16xi32>], vector<16xf32>,
    %swap3A_898 = arith.constant 48 : index
    %swap3A_899 = tpu.vector_load %arg9[%swap3A_898] {strides = array<i32>} : memref<1024xf32, #tpu.memory_space<vmem>>, vector<16xf32>,
    tpu.vector_store %arg9[%swap3A_898], %gather3A_897 {strides = array<i32>} : memref<1024xf32, #tpu.memory_space<vmem>>, vector<16xf32>,
    %get3A_900 = arith.constant 64 : index
    %get3A_901 = tpu.vector_load %arg5[%get3A_900] {strides = array<i32>} : memref<1024xi32, #tpu.memory_space<vmem>>, vector<16xi32>,
    %gather3A_902 = tpu.vector_load_idx %arg8[%get3A_901] : memref<1024xf32, #tpu.memory_space<vmem>>[vector<16xi32>], vector<16xf32>,
    %swap3A_903 = arith.constant 64 : index
    %swap3A_904 = tpu.vector_load %arg9[%swap3A_903] {strides = array<i32>} : memref<1024xf32, #tpu.memory_space<vmem>>, vector<16xf32>,
    tpu.vector_store %arg9[%swap3A_903], %gather3A_902 {strides = array<i32>} : memref<1024xf32, #tpu.memory_space<vmem>>, vector<16xf32>,
    %get3A_905 = arith.constant 80 : index
    %get3A_906 = tpu.vector_load %arg5[%get3A_905] {strides = array<i32>} : memref<1024xi32, #tpu.memory_space<vmem>>, vector<16xi32>,
    %gather3A_907 = tpu.vector_load_idx %arg8[%get3A_906] : memref<1024xf32, #tpu.memory_space<vmem>>[vector<16xi32>], vector<16xf32>,
    %swap3A_908 = arith.constant 80 : index
    %swap3A_909 = tpu.vector_load %arg9[%swap3A_908] {strides = array<i32>} : memref<1024xf32, #tpu.memory_space<vmem>>, vector<16xf32>,
    tpu.vector_store %arg9[%swap3A_908], %gather3A_907 {strides = array<i32>} : memref<1024xf32, #tpu.memory_space<vmem>>, vector<16xf32>,
    %get3A_910 = arith.constant 96 : index
    %get3A_911 = tpu.vector_load %arg5[%get3A_910] {strides = array<i32>} : memref<1024xi32, #tpu.memory_space<vmem>>, vector<16xi32>,
    %gather3A_912 = tpu.vector_load_idx %arg8[%get3A_911] : memref<1024xf32, #tpu.memory_space<vmem>>[vector<16xi32>], vector<16xf32>,
    %swap3A_913 = arith.constant 96 : index
    %swap3A_914 = tpu.vector_load %arg9[%swap3A_913] {strides = array<i32>} : memref<1024xf32, #tpu.memory_space<vmem>>, vector<16xf32>,
    tpu.vector_store %arg9[%swap3A_913], %gather3A_912 {strides = array<i32>} : memref<1024xf32, #tpu.memory_space<vmem>>, vector<16xf32>,
    %get3A_915 = arith.constant 112 : index
    %get3A_916 = tpu.vector_load %arg5[%get3A_915] {strides = array<i32>} : memref<1024xi32, #tpu.memory_space<vmem>>, vector<16xi32>,
    %gather3A_917 = tpu.vector_load_idx %arg8[%get3A_916] : memref<1024xf32, #tpu.memory_space<vmem>>[vector<16xi32>], vector<16xf32>,
    %swap3A_918 = arith.constant 112 : index
    %swap3A_919 = tpu.vector_load %arg9[%swap3A_918] {strides = array<i32>} : memref<1024xf32, #tpu.memory_space<vmem>>, vector<16xf32>,
    tpu.vector_store %arg9[%swap3A_918], %gather3A_917 {strides = array<i32>} : memref<1024xf32, #tpu.memory_space<vmem>>, vector<16xf32>,
    %get3A_920 = arith.constant 128 : index
    %get3A_921 = tpu.vector_load %arg5[%get3A_920] {strides = array<i32>} : memref<1024xi32, #tpu.memory_space<vmem>>, vector<16xi32>,
    %gather3A_922 = tpu.vector_load_idx %arg8[%get3A_921] : memref<1024xf32, #tpu.memory_space<vmem>>[vector<16xi32>], vector<16xf32>,
    %swap3A_923 = arith.constant 128 : index
    %swap3A_924 = tpu.vector_load %arg9[%swap3A_923] {strides = array<i32>} : memref<1024xf32, #tpu.memory_space<vmem>>, vector<16xf32>,
    tpu.vector_store %arg9[%swap3A_923], %gather3A_922 {strides = array<i32>} : memref<1024xf32, #tpu.memory_space<vmem>>, vector<16xf32>,
    %get3A_925 = arith.constant 144 : index
    %get3A_926 = tpu.vector_load %arg5[%get3A_925] {strides = array<i32>} : memref<1024xi32, #tpu.memory_space<vmem>>, vector<16xi32>,
    %gather3A_927 = tpu.vector_load_idx %arg8[%get3A_926] : memref<1024xf32, #tpu.memory_space<vmem>>[vector<16xi32>], vector<16xf32>,
    %swap3A_928 = arith.constant 144 : index
    %swap3A_929 = tpu.vector_load %arg9[%swap3A_928] {strides = array<i32>} : memref<1024xf32, #tpu.memory_space<vmem>>, vector<16xf32>,
    tpu.vector_store %arg9[%swap3A_928], %gather3A_927 {strides = array<i32>} : memref<1024xf32, #tpu.memory_space<vmem>>, vector<16xf32>,
    %get3A_930 = arith.constant 160 : index
    %get3A_931 = tpu.vector_load %arg5[%get3A_930] {strides = array<i32>} : memref<1024xi32, #tpu.memory_space<vmem>>, vector<16xi32>,
    %gather3A_932 = tpu.vector_load_idx %arg8[%get3A_931] : memref<1024xf32, #tpu.memory_space<vmem>>[vector<16xi32>], vector<16xf32>,
    %swap3A_933 = arith.constant 160 : index
    %swap3A_934 = tpu.vector_load %arg9[%swap3A_933] {strides = array<i32>} : memref<1024xf32, #tpu.memory_space<vmem>>, vector<16xf32>,
    tpu.vector_store %arg9[%swap3A_933], %gather3A_932 {strides = array<i32>} : memref<1024xf32, #tpu.memory_space<vmem>>, vector<16xf32>,
    %get3A_935 = arith.constant 176 : index
    %get3A_936 = tpu.vector_load %arg5[%get3A_935] {strides = array<i32>} : memref<1024xi32, #tpu.memory_space<vmem>>, vector<16xi32>,
    %gather3A_937 = tpu.vector_load_idx %arg8[%get3A_936] : memref<1024xf32, #tpu.memory_space<vmem>>[vector<16xi32>], vector<16xf32>,
    %swap3A_938 = arith.constant 176 : index
    %swap3A_939 = tpu.vector_load %arg9[%swap3A_938] {strides = array<i32>} : memref<1024xf32, #tpu.memory_space<vmem>>, vector<16xf32>,
    tpu.vector_store %arg9[%swap3A_938], %gather3A_937 {strides = array<i32>} : memref<1024xf32, #tpu.memory_space<vmem>>, vector<16xf32>,
    %get3A_940 = arith.constant 192 : index
    %get3A_941 = tpu.vector_load %arg5[%get3A_940] {strides = array<i32>} : memref<1024xi32, #tpu.memory_space<vmem>>, vector<16xi32>,
    %gather3A_942 = tpu.vector_load_idx %arg8[%get3A_941] : memref<1024xf32, #tpu.memory_space<vmem>>[vector<16xi32>], vector<16xf32>,
    %swap3A_943 = arith.constant 192 : index
    %swap3A_944 = tpu.vector_load %arg9[%swap3A_943] {strides = array<i32>} : memref<1024xf32, #tpu.memory_space<vmem>>, vector<16xf32>,
    tpu.vector_store %arg9[%swap3A_943], %gather3A_942 {strides = array<i32>} : memref<1024xf32, #tpu.memory_space<vmem>>, vector<16xf32>,
    %get3A_945 = arith.constant 208 : index
    %get3A_946 = tpu.vector_load %arg5[%get3A_945] {strides = array<i32>} : memref<1024xi32, #tpu.memory_space<vmem>>, vector<16xi32>,
    %gather3A_947 = tpu.vector_load_idx %arg8[%get3A_946] : memref<1024xf32, #tpu.memory_space<vmem>>[vector<16xi32>], vector<16xf32>,
    %swap3A_948 = arith.constant 208 : index
    %swap3A_949 = tpu.vector_load %arg9[%swap3A_948] {strides = array<i32>} : memref<1024xf32, #tpu.memory_space<vmem>>, vector<16xf32>,
    tpu.vector_store %arg9[%swap3A_948], %gather3A_947 {strides = array<i32>} : memref<1024xf32, #tpu.memory_space<vmem>>, vector<16xf32>,
    %get3A_950 = arith.constant 224 : index
    %get3A_951 = tpu.vector_load %arg5[%get3A_950] {strides = array<i32>} : memref<1024xi32, #tpu.memory_space<vmem>>, vector<16xi32>,
    %gather3A_952 = tpu.vector_load_idx %arg8[%get3A_951] : memref<1024xf32, #tpu.memory_space<vmem>>[vector<16xi32>], vector<16xf32>,
    %swap3A_953 = arith.constant 224 : index
    %swap3A_954 = tpu.vector_load %arg9[%swap3A_953] {strides = array<i32>} : memref<1024xf32, #tpu.memory_space<vmem>>, vector<16xf32>,
    tpu.vector_store %arg9[%swap3A_953], %gather3A_952 {strides = array<i32>} : memref<1024xf32, #tpu.memory_space<vmem>>, vector<16xf32>,
    %get3A_955 = arith.constant 240 : index
    %get3A_956 = tpu.vector_load %arg5[%get3A_955] {strides = array<i32>} : memref<1024xi32, #tpu.memory_space<vmem>>, vector<16xi32>,
    %gather3A_957 = tpu.vector_load_idx %arg8[%get3A_956] : memref<1024xf32, #tpu.memory_space<vmem>>[vector<16xi32>], vector<16xf32>,
    %swap3A_958 = arith.constant 240 : index
    %swap3A_959 = tpu.vector_load %arg9[%swap3A_958] {strides = array<i32>} : memref<1024xf32, #tpu.memory_space<vmem>>, vector<16xf32>,
    tpu.vector_store %arg9[%swap3A_958], %gather3A_957 {strides = array<i32>} : memref<1024xf32, #tpu.memory_space<vmem>>, vector<16xf32>,
    %add3A_960 = arith.constant 0 : i32
    %add3A_961 = arith.addi %mul3A_2, %add3A_960 : i32
    %dma_start3A_962 = arith.constant 0 : i32
    %dma_start3A_963 = tpu.memref_slice %arg9[%dma_start3A_962] : memref<1024xf32, #tpu.memory_space<vmem>> -> memref<256xf32, #tpu.memory_space<vmem>>
    %dma_start3A_964 = tpu.memref_slice %arg4[%add3A_961] : memref<16384xf32, #tpu.memory_space<hbm>> -> memref<256xf32, #tpu.memory_space<hbm>>
    %dma_start3A_965 = tpu.memref_slice %arg4[%add3A_961] : memref<16384xf32, #tpu.memory_space<hbm>> -> memref<256xf32, #tpu.memory_space<hbm>>
    %dma_start3A_966 = arith.constant 0 : i32
    %dma_start3A_967 = tpu.memref_slice %arg9[%dma_start3A_966] : memref<1024xf32, #tpu.memory_space<vmem>> -> memref<256xf32, #tpu.memory_space<vmem>>
    tpu.enqueue_dma source(%dma_start3A_967 : memref<256xf32, #tpu.memory_space<vmem>>) target(%dma_start3A_965 : memref<256xf32, #tpu.memory_space<hbm>>) target_semaphore(%arg13 : memref<!tpu.dma_semaphore, #tpu.memory_space<semaphore_mem>>)
    %get3A_968 = arith.constant 256 : index
    %get3A_969 = tpu.vector_load %arg5[%get3A_968] {strides = array<i32>} : memref<1024xi32, #tpu.memory_space<vmem>>, vector<16xi32>,
    %gather3A_970 = tpu.vector_load_idx %arg8[%get3A_969] : memref<1024xf32, #tpu.memory_space<vmem>>[vector<16xi32>], vector<16xf32>,
    %swap3A_971 = arith.constant 256 : index
    %swap3A_972 = tpu.vector_load %arg9[%swap3A_971] {strides = array<i32>} : memref<1024xf32, #tpu.memory_space<vmem>>, vector<16xf32>,
    tpu.vector_store %arg9[%swap3A_971], %gather3A_970 {strides = array<i32>} : memref<1024xf32, #tpu.memory_space<vmem>>, vector<16xf32>,
    %get3A_973 = arith.constant 272 : index
    %get3A_974 = tpu.vector_load %arg5[%get3A_973] {strides = array<i32>} : memref<1024xi32, #tpu.memory_space<vmem>>, vector<16xi32>,
    %gather3A_975 = tpu.vector_load_idx %arg8[%get3A_974] : memref<1024xf32, #tpu.memory_space<vmem>>[vector<16xi32>], vector<16xf32>,
    %swap3A_976 = arith.constant 272 : index
    %swap3A_977 = tpu.vector_load %arg9[%swap3A_976] {strides = array<i32>} : memref<1024xf32, #tpu.memory_space<vmem>>, vector<16xf32>,
    tpu.vector_store %arg9[%swap3A_976], %gather3A_975 {strides = array<i32>} : memref<1024xf32, #tpu.memory_space<vmem>>, vector<16xf32>,
    %get3A_978 = arith.constant 288 : index
    %get3A_979 = tpu.vector_load %arg5[%get3A_978] {strides = array<i32>} : memref<1024xi32, #tpu.memory_space<vmem>>, vector<16xi32>,
    %gather3A_980 = tpu.vector_load_idx %arg8[%get3A_979] : memref<1024xf32, #tpu.memory_space<vmem>>[vector<16xi32>], vector<16xf32>,
    %swap3A_981 = arith.constant 288 : index
    %swap3A_982 = tpu.vector_load %arg9[%swap3A_981] {strides = array<i32>} : memref<1024xf32, #tpu.memory_space<vmem>>, vector<16xf32>,
    tpu.vector_store %arg9[%swap3A_981], %gather3A_980 {strides = array<i32>} : memref<1024xf32, #tpu.memory_space<vmem>>, vector<16xf32>,
    %get3A_983 = arith.constant 304 : index
    %get3A_984 = tpu.vector_load %arg5[%get3A_983] {strides = array<i32>} : memref<1024xi32, #tpu.memory_space<vmem>>, vector<16xi32>,
    %gather3A_985 = tpu.vector_load_idx %arg8[%get3A_984] : memref<1024xf32, #tpu.memory_space<vmem>>[vector<16xi32>], vector<16xf32>,
    %swap3A_986 = arith.constant 304 : index
    %swap3A_987 = tpu.vector_load %arg9[%swap3A_986] {strides = array<i32>} : memref<1024xf32, #tpu.memory_space<vmem>>, vector<16xf32>,
    tpu.vector_store %arg9[%swap3A_986], %gather3A_985 {strides = array<i32>} : memref<1024xf32, #tpu.memory_space<vmem>>, vector<16xf32>,
    %get3A_988 = arith.constant 320 : index
    %get3A_989 = tpu.vector_load %arg5[%get3A_988] {strides = array<i32>} : memref<1024xi32, #tpu.memory_space<vmem>>, vector<16xi32>,
    %gather3A_990 = tpu.vector_load_idx %arg8[%get3A_989] : memref<1024xf32, #tpu.memory_space<vmem>>[vector<16xi32>], vector<16xf32>,
    %swap3A_991 = arith.constant 320 : index
    %swap3A_992 = tpu.vector_load %arg9[%swap3A_991] {strides = array<i32>} : memref<1024xf32, #tpu.memory_space<vmem>>, vector<16xf32>,
    tpu.vector_store %arg9[%swap3A_991], %gather3A_990 {strides = array<i32>} : memref<1024xf32, #tpu.memory_space<vmem>>, vector<16xf32>,
    %get3A_993 = arith.constant 336 : index
    %get3A_994 = tpu.vector_load %arg5[%get3A_993] {strides = array<i32>} : memref<1024xi32, #tpu.memory_space<vmem>>, vector<16xi32>,
    %gather3A_995 = tpu.vector_load_idx %arg8[%get3A_994] : memref<1024xf32, #tpu.memory_space<vmem>>[vector<16xi32>], vector<16xf32>,
    %swap3A_996 = arith.constant 336 : index
    %swap3A_997 = tpu.vector_load %arg9[%swap3A_996] {strides = array<i32>} : memref<1024xf32, #tpu.memory_space<vmem>>, vector<16xf32>,
    tpu.vector_store %arg9[%swap3A_996], %gather3A_995 {strides = array<i32>} : memref<1024xf32, #tpu.memory_space<vmem>>, vector<16xf32>,
    %get3A_998 = arith.constant 352 : index
    %get3A_999 = tpu.vector_load %arg5[%get3A_998] {strides = array<i32>} : memref<1024xi32, #tpu.memory_space<vmem>>, vector<16xi32>,
    %gather3A_1000 = tpu.vector_load_idx %arg8[%get3A_999] : memref<1024xf32, #tpu.memory_space<vmem>>[vector<16xi32>], vector<16xf32>,
    %swap3A_1001 = arith.constant 352 : index
    %swap3A_1002 = tpu.vector_load %arg9[%swap3A_1001] {strides = array<i32>} : memref<1024xf32, #tpu.memory_space<vmem>>, vector<16xf32>,
    tpu.vector_store %arg9[%swap3A_1001], %gather3A_1000 {strides = array<i32>} : memref<1024xf32, #tpu.memory_space<vmem>>, vector<16xf32>,
    %get3A_1003 = arith.constant 368 : index
    %get3A_1004 = tpu.vector_load %arg5[%get3A_1003] {strides = array<i32>} : memref<1024xi32, #tpu.memory_space<vmem>>, vector<16xi32>,
    %gather3A_1005 = tpu.vector_load_idx %arg8[%get3A_1004] : memref<1024xf32, #tpu.memory_space<vmem>>[vector<16xi32>], vector<16xf32>,
    %swap3A_1006 = arith.constant 368 : index
    %swap3A_1007 = tpu.vector_load %arg9[%swap3A_1006] {strides = array<i32>} : memref<1024xf32, #tpu.memory_space<vmem>>, vector<16xf32>,
    tpu.vector_store %arg9[%swap3A_1006], %gather3A_1005 {strides = array<i32>} : memref<1024xf32, #tpu.memory_space<vmem>>, vector<16xf32>,
    %get3A_1008 = arith.constant 384 : index
    %get3A_1009 = tpu.vector_load %arg5[%get3A_1008] {strides = array<i32>} : memref<1024xi32, #tpu.memory_space<vmem>>, vector<16xi32>,
    %gather3A_1010 = tpu.vector_load_idx %arg8[%get3A_1009] : memref<1024xf32, #tpu.memory_space<vmem>>[vector<16xi32>], vector<16xf32>,
    %swap3A_1011 = arith.constant 384 : index
    %swap3A_1012 = tpu.vector_load %arg9[%swap3A_1011] {strides = array<i32>} : memref<1024xf32, #tpu.memory_space<vmem>>, vector<16xf32>,
    tpu.vector_store %arg9[%swap3A_1011], %gather3A_1010 {strides = array<i32>} : memref<1024xf32, #tpu.memory_space<vmem>>, vector<16xf32>,
    %get3A_1013 = arith.constant 400 : index
    %get3A_1014 = tpu.vector_load %arg5[%get3A_1013] {strides = array<i32>} : memref<1024xi32, #tpu.memory_space<vmem>>, vector<16xi32>,
    %gather3A_1015 = tpu.vector_load_idx %arg8[%get3A_1014] : memref<1024xf32, #tpu.memory_space<vmem>>[vector<16xi32>], vector<16xf32>,
    %swap3A_1016 = arith.constant 400 : index
    %swap3A_1017 = tpu.vector_load %arg9[%swap3A_1016] {strides = array<i32>} : memref<1024xf32, #tpu.memory_space<vmem>>, vector<16xf32>,
    tpu.vector_store %arg9[%swap3A_1016], %gather3A_1015 {strides = array<i32>} : memref<1024xf32, #tpu.memory_space<vmem>>, vector<16xf32>,
    %get3A_1018 = arith.constant 416 : index
    %get3A_1019 = tpu.vector_load %arg5[%get3A_1018] {strides = array<i32>} : memref<1024xi32, #tpu.memory_space<vmem>>, vector<16xi32>,
    %gather3A_1020 = tpu.vector_load_idx %arg8[%get3A_1019] : memref<1024xf32, #tpu.memory_space<vmem>>[vector<16xi32>], vector<16xf32>,
    %swap3A_1021 = arith.constant 416 : index
    %swap3A_1022 = tpu.vector_load %arg9[%swap3A_1021] {strides = array<i32>} : memref<1024xf32, #tpu.memory_space<vmem>>, vector<16xf32>,
    tpu.vector_store %arg9[%swap3A_1021], %gather3A_1020 {strides = array<i32>} : memref<1024xf32, #tpu.memory_space<vmem>>, vector<16xf32>,
    %get3A_1023 = arith.constant 432 : index
    %get3A_1024 = tpu.vector_load %arg5[%get3A_1023] {strides = array<i32>} : memref<1024xi32, #tpu.memory_space<vmem>>, vector<16xi32>,
    %gather3A_1025 = tpu.vector_load_idx %arg8[%get3A_1024] : memref<1024xf32, #tpu.memory_space<vmem>>[vector<16xi32>], vector<16xf32>,
    %swap3A_1026 = arith.constant 432 : index
    %swap3A_1027 = tpu.vector_load %arg9[%swap3A_1026] {strides = array<i32>} : memref<1024xf32, #tpu.memory_space<vmem>>, vector<16xf32>,
    tpu.vector_store %arg9[%swap3A_1026], %gather3A_1025 {strides = array<i32>} : memref<1024xf32, #tpu.memory_space<vmem>>, vector<16xf32>,
    %get3A_1028 = arith.constant 448 : index
    %get3A_1029 = tpu.vector_load %arg5[%get3A_1028] {strides = array<i32>} : memref<1024xi32, #tpu.memory_space<vmem>>, vector<16xi32>,
    %gather3A_1030 = tpu.vector_load_idx %arg8[%get3A_1029] : memref<1024xf32, #tpu.memory_space<vmem>>[vector<16xi32>], vector<16xf32>,
    %swap3A_1031 = arith.constant 448 : index
    %swap3A_1032 = tpu.vector_load %arg9[%swap3A_1031] {strides = array<i32>} : memref<1024xf32, #tpu.memory_space<vmem>>, vector<16xf32>,
    tpu.vector_store %arg9[%swap3A_1031], %gather3A_1030 {strides = array<i32>} : memref<1024xf32, #tpu.memory_space<vmem>>, vector<16xf32>,
    %get3A_1033 = arith.constant 464 : index
    %get3A_1034 = tpu.vector_load %arg5[%get3A_1033] {strides = array<i32>} : memref<1024xi32, #tpu.memory_space<vmem>>, vector<16xi32>,
    %gather3A_1035 = tpu.vector_load_idx %arg8[%get3A_1034] : memref<1024xf32, #tpu.memory_space<vmem>>[vector<16xi32>], vector<16xf32>,
    %swap3A_1036 = arith.constant 464 : index
    %swap3A_1037 = tpu.vector_load %arg9[%swap3A_1036] {strides = array<i32>} : memref<1024xf32, #tpu.memory_space<vmem>>, vector<16xf32>,
    tpu.vector_store %arg9[%swap3A_1036], %gather3A_1035 {strides = array<i32>} : memref<1024xf32, #tpu.memory_space<vmem>>, vector<16xf32>,
    %get3A_1038 = arith.constant 480 : index
    %get3A_1039 = tpu.vector_load %arg5[%get3A_1038] {strides = array<i32>} : memref<1024xi32, #tpu.memory_space<vmem>>, vector<16xi32>,
    %gather3A_1040 = tpu.vector_load_idx %arg8[%get3A_1039] : memref<1024xf32, #tpu.memory_space<vmem>>[vector<16xi32>], vector<16xf32>,
    %swap3A_1041 = arith.constant 480 : index
    %swap3A_1042 = tpu.vector_load %arg9[%swap3A_1041] {strides = array<i32>} : memref<1024xf32, #tpu.memory_space<vmem>>, vector<16xf32>,
    tpu.vector_store %arg9[%swap3A_1041], %gather3A_1040 {strides = array<i32>} : memref<1024xf32, #tpu.memory_space<vmem>>, vector<16xf32>,
    %get3A_1043 = arith.constant 496 : index
    %get3A_1044 = tpu.vector_load %arg5[%get3A_1043] {strides = array<i32>} : memref<1024xi32, #tpu.memory_space<vmem>>, vector<16xi32>,
    %gather3A_1045 = tpu.vector_load_idx %arg8[%get3A_1044] : memref<1024xf32, #tpu.memory_space<vmem>>[vector<16xi32>], vector<16xf32>,
    %swap3A_1046 = arith.constant 496 : index
    %swap3A_1047 = tpu.vector_load %arg9[%swap3A_1046] {strides = array<i32>} : memref<1024xf32, #tpu.memory_space<vmem>>, vector<16xf32>,
    tpu.vector_store %arg9[%swap3A_1046], %gather3A_1045 {strides = array<i32>} : memref<1024xf32, #tpu.memory_space<vmem>>, vector<16xf32>,
    %add3A_1048 = arith.constant 256 : i32
    %add3A_1049 = arith.addi %mul3A_2, %add3A_1048 : i32
    %dma_start3A_1050 = arith.constant 256 : i32
    %dma_start3A_1051 = tpu.memref_slice %arg9[%dma_start3A_1050] : memref<1024xf32, #tpu.memory_space<vmem>> -> memref<256xf32, #tpu.memory_space<vmem>>
    %dma_start3A_1052 = tpu.memref_slice %arg4[%add3A_1049] : memref<16384xf32, #tpu.memory_space<hbm>> -> memref<256xf32, #tpu.memory_space<hbm>>
    %dma_start3A_1053 = tpu.memref_slice %arg4[%add3A_1049] : memref<16384xf32, #tpu.memory_space<hbm>> -> memref<256xf32, #tpu.memory_space<hbm>>
    %dma_start3A_1054 = arith.constant 256 : i32
    %dma_start3A_1055 = tpu.memref_slice %arg9[%dma_start3A_1054] : memref<1024xf32, #tpu.memory_space<vmem>> -> memref<256xf32, #tpu.memory_space<vmem>>
    tpu.enqueue_dma source(%dma_start3A_1055 : memref<256xf32, #tpu.memory_space<vmem>>) target(%dma_start3A_1053 : memref<256xf32, #tpu.memory_space<hbm>>) target_semaphore(%arg13 : memref<!tpu.dma_semaphore, #tpu.memory_space<semaphore_mem>>)
    %get3A_1056 = arith.constant 512 : index
    %get3A_1057 = tpu.vector_load %arg5[%get3A_1056] {strides = array<i32>} : memref<1024xi32, #tpu.memory_space<vmem>>, vector<16xi32>,
    %gather3A_1058 = tpu.vector_load_idx %arg8[%get3A_1057] : memref<1024xf32, #tpu.memory_space<vmem>>[vector<16xi32>], vector<16xf32>,
    %swap3A_1059 = arith.constant 512 : index
    %swap3A_1060 = tpu.vector_load %arg9[%swap3A_1059] {strides = array<i32>} : memref<1024xf32, #tpu.memory_space<vmem>>, vector<16xf32>,
    tpu.vector_store %arg9[%swap3A_1059], %gather3A_1058 {strides = array<i32>} : memref<1024xf32, #tpu.memory_space<vmem>>, vector<16xf32>,
    %get3A_1061 = arith.constant 528 : index
    %get3A_1062 = tpu.vector_load %arg5[%get3A_1061] {strides = array<i32>} : memref<1024xi32, #tpu.memory_space<vmem>>, vector<16xi32>,
    %gather3A_1063 = tpu.vector_load_idx %arg8[%get3A_1062] : memref<1024xf32, #tpu.memory_space<vmem>>[vector<16xi32>], vector<16xf32>,
    %swap3A_1064 = arith.constant 528 : index
    %swap3A_1065 = tpu.vector_load %arg9[%swap3A_1064] {strides = array<i32>} : memref<1024xf32, #tpu.memory_space<vmem>>, vector<16xf32>,
    tpu.vector_store %arg9[%swap3A_1064], %gather3A_1063 {strides = array<i32>} : memref<1024xf32, #tpu.memory_space<vmem>>, vector<16xf32>,
    %get3A_1066 = arith.constant 544 : index
    %get3A_1067 = tpu.vector_load %arg5[%get3A_1066] {strides = array<i32>} : memref<1024xi32, #tpu.memory_space<vmem>>, vector<16xi32>,
    %gather3A_1068 = tpu.vector_load_idx %arg8[%get3A_1067] : memref<1024xf32, #tpu.memory_space<vmem>>[vector<16xi32>], vector<16xf32>,
    %swap3A_1069 = arith.constant 544 : index
    %swap3A_1070 = tpu.vector_load %arg9[%swap3A_1069] {strides = array<i32>} : memref<1024xf32, #tpu.memory_space<vmem>>, vector<16xf32>,
    tpu.vector_store %arg9[%swap3A_1069], %gather3A_1068 {strides = array<i32>} : memref<1024xf32, #tpu.memory_space<vmem>>, vector<16xf32>,
    %get3A_1071 = arith.constant 560 : index
    %get3A_1072 = tpu.vector_load %arg5[%get3A_1071] {strides = array<i32>} : memref<1024xi32, #tpu.memory_space<vmem>>, vector<16xi32>,
    %gather3A_1073 = tpu.vector_load_idx %arg8[%get3A_1072] : memref<1024xf32, #tpu.memory_space<vmem>>[vector<16xi32>], vector<16xf32>,
    %swap3A_1074 = arith.constant 560 : index
    %swap3A_1075 = tpu.vector_load %arg9[%swap3A_1074] {strides = array<i32>} : memref<1024xf32, #tpu.memory_space<vmem>>, vector<16xf32>,
    tpu.vector_store %arg9[%swap3A_1074], %gather3A_1073 {strides = array<i32>} : memref<1024xf32, #tpu.memory_space<vmem>>, vector<16xf32>,
    %get3A_1076 = arith.constant 576 : index
    %get3A_1077 = tpu.vector_load %arg5[%get3A_1076] {strides = array<i32>} : memref<1024xi32, #tpu.memory_space<vmem>>, vector<16xi32>,
    %gather3A_1078 = tpu.vector_load_idx %arg8[%get3A_1077] : memref<1024xf32, #tpu.memory_space<vmem>>[vector<16xi32>], vector<16xf32>,
    %swap3A_1079 = arith.constant 576 : index
    %swap3A_1080 = tpu.vector_load %arg9[%swap3A_1079] {strides = array<i32>} : memref<1024xf32, #tpu.memory_space<vmem>>, vector<16xf32>,
    tpu.vector_store %arg9[%swap3A_1079], %gather3A_1078 {strides = array<i32>} : memref<1024xf32, #tpu.memory_space<vmem>>, vector<16xf32>,
    %get3A_1081 = arith.constant 592 : index
    %get3A_1082 = tpu.vector_load %arg5[%get3A_1081] {strides = array<i32>} : memref<1024xi32, #tpu.memory_space<vmem>>, vector<16xi32>,
    %gather3A_1083 = tpu.vector_load_idx %arg8[%get3A_1082] : memref<1024xf32, #tpu.memory_space<vmem>>[vector<16xi32>], vector<16xf32>,
    %swap3A_1084 = arith.constant 592 : index
    %swap3A_1085 = tpu.vector_load %arg9[%swap3A_1084] {strides = array<i32>} : memref<1024xf32, #tpu.memory_space<vmem>>, vector<16xf32>,
    tpu.vector_store %arg9[%swap3A_1084], %gather3A_1083 {strides = array<i32>} : memref<1024xf32, #tpu.memory_space<vmem>>, vector<16xf32>,
    %get3A_1086 = arith.constant 608 : index
    %get3A_1087 = tpu.vector_load %arg5[%get3A_1086] {strides = array<i32>} : memref<1024xi32, #tpu.memory_space<vmem>>, vector<16xi32>,
    %gather3A_1088 = tpu.vector_load_idx %arg8[%get3A_1087] : memref<1024xf32, #tpu.memory_space<vmem>>[vector<16xi32>], vector<16xf32>,
    %swap3A_1089 = arith.constant 608 : index
    %swap3A_1090 = tpu.vector_load %arg9[%swap3A_1089] {strides = array<i32>} : memref<1024xf32, #tpu.memory_space<vmem>>, vector<16xf32>,
    tpu.vector_store %arg9[%swap3A_1089], %gather3A_1088 {strides = array<i32>} : memref<1024xf32, #tpu.memory_space<vmem>>, vector<16xf32>,
    %get3A_1091 = arith.constant 624 : index
    %get3A_1092 = tpu.vector_load %arg5[%get3A_1091] {strides = array<i32>} : memref<1024xi32, #tpu.memory_space<vmem>>, vector<16xi32>,
    %gather3A_1093 = tpu.vector_load_idx %arg8[%get3A_1092] : memref<1024xf32, #tpu.memory_space<vmem>>[vector<16xi32>], vector<16xf32>,
    %swap3A_1094 = arith.constant 624 : index
    %swap3A_1095 = tpu.vector_load %arg9[%swap3A_1094] {strides = array<i32>} : memref<1024xf32, #tpu.memory_space<vmem>>, vector<16xf32>,
    tpu.vector_store %arg9[%swap3A_1094], %gather3A_1093 {strides = array<i32>} : memref<1024xf32, #tpu.memory_space<vmem>>, vector<16xf32>,
    %get3A_1096 = arith.constant 640 : index
    %get3A_1097 = tpu.vector_load %arg5[%get3A_1096] {strides = array<i32>} : memref<1024xi32, #tpu.memory_space<vmem>>, vector<16xi32>,
    %gather3A_1098 = tpu.vector_load_idx %arg8[%get3A_1097] : memref<1024xf32, #tpu.memory_space<vmem>>[vector<16xi32>], vector<16xf32>,
    %swap3A_1099 = arith.constant 640 : index
    %swap3A_1100 = tpu.vector_load %arg9[%swap3A_1099] {strides = array<i32>} : memref<1024xf32, #tpu.memory_space<vmem>>, vector<16xf32>,
    tpu.vector_store %arg9[%swap3A_1099], %gather3A_1098 {strides = array<i32>} : memref<1024xf32, #tpu.memory_space<vmem>>, vector<16xf32>,
    %get3A_1101 = arith.constant 656 : index
    %get3A_1102 = tpu.vector_load %arg5[%get3A_1101] {strides = array<i32>} : memref<1024xi32, #tpu.memory_space<vmem>>, vector<16xi32>,
    %gather3A_1103 = tpu.vector_load_idx %arg8[%get3A_1102] : memref<1024xf32, #tpu.memory_space<vmem>>[vector<16xi32>], vector<16xf32>,
    %swap3A_1104 = arith.constant 656 : index
    %swap3A_1105 = tpu.vector_load %arg9[%swap3A_1104] {strides = array<i32>} : memref<1024xf32, #tpu.memory_space<vmem>>, vector<16xf32>,
    tpu.vector_store %arg9[%swap3A_1104], %gather3A_1103 {strides = array<i32>} : memref<1024xf32, #tpu.memory_space<vmem>>, vector<16xf32>,
    %get3A_1106 = arith.constant 672 : index
    %get3A_1107 = tpu.vector_load %arg5[%get3A_1106] {strides = array<i32>} : memref<1024xi32, #tpu.memory_space<vmem>>, vector<16xi32>,
    %gather3A_1108 = tpu.vector_load_idx %arg8[%get3A_1107] : memref<1024xf32, #tpu.memory_space<vmem>>[vector<16xi32>], vector<16xf32>,
    %swap3A_1109 = arith.constant 672 : index
    %swap3A_1110 = tpu.vector_load %arg9[%swap3A_1109] {strides = array<i32>} : memref<1024xf32, #tpu.memory_space<vmem>>, vector<16xf32>,
    tpu.vector_store %arg9[%swap3A_1109], %gather3A_1108 {strides = array<i32>} : memref<1024xf32, #tpu.memory_space<vmem>>, vector<16xf32>,
    %get3A_1111 = arith.constant 688 : index
    %get3A_1112 = tpu.vector_load %arg5[%get3A_1111] {strides = array<i32>} : memref<1024xi32, #tpu.memory_space<vmem>>, vector<16xi32>,
    %gather3A_1113 = tpu.vector_load_idx %arg8[%get3A_1112] : memref<1024xf32, #tpu.memory_space<vmem>>[vector<16xi32>], vector<16xf32>,
    %swap3A_1114 = arith.constant 688 : index
    %swap3A_1115 = tpu.vector_load %arg9[%swap3A_1114] {strides = array<i32>} : memref<1024xf32, #tpu.memory_space<vmem>>, vector<16xf32>,
    tpu.vector_store %arg9[%swap3A_1114], %gather3A_1113 {strides = array<i32>} : memref<1024xf32, #tpu.memory_space<vmem>>, vector<16xf32>,
    %get3A_1116 = arith.constant 704 : index
    %get3A_1117 = tpu.vector_load %arg5[%get3A_1116] {strides = array<i32>} : memref<1024xi32, #tpu.memory_space<vmem>>, vector<16xi32>,
    %gather3A_1118 = tpu.vector_load_idx %arg8[%get3A_1117] : memref<1024xf32, #tpu.memory_space<vmem>>[vector<16xi32>], vector<16xf32>,
    %swap3A_1119 = arith.constant 704 : index
    %swap3A_1120 = tpu.vector_load %arg9[%swap3A_1119] {strides = array<i32>} : memref<1024xf32, #tpu.memory_space<vmem>>, vector<16xf32>,
    tpu.vector_store %arg9[%swap3A_1119], %gather3A_1118 {strides = array<i32>} : memref<1024xf32, #tpu.memory_space<vmem>>, vector<16xf32>,
    %get3A_1121 = arith.constant 720 : index
    %get3A_1122 = tpu.vector_load %arg5[%get3A_1121] {strides = array<i32>} : memref<1024xi32, #tpu.memory_space<vmem>>, vector<16xi32>,
    %gather3A_1123 = tpu.vector_load_idx %arg8[%get3A_1122] : memref<1024xf32, #tpu.memory_space<vmem>>[vector<16xi32>], vector<16xf32>,
    %swap3A_1124 = arith.constant 720 : index
    %swap3A_1125 = tpu.vector_load %arg9[%swap3A_1124] {strides = array<i32>} : memref<1024xf32, #tpu.memory_space<vmem>>, vector<16xf32>,
    tpu.vector_store %arg9[%swap3A_1124], %gather3A_1123 {strides = array<i32>} : memref<1024xf32, #tpu.memory_space<vmem>>, vector<16xf32>,
    %get3A_1126 = arith.constant 736 : index
    %get3A_1127 = tpu.vector_load %arg5[%get3A_1126] {strides = array<i32>} : memref<1024xi32, #tpu.memory_space<vmem>>, vector<16xi32>,
    %gather3A_1128 = tpu.vector_load_idx %arg8[%get3A_1127] : memref<1024xf32, #tpu.memory_space<vmem>>[vector<16xi32>], vector<16xf32>,
    %swap3A_1129 = arith.constant 736 : index
    %swap3A_1130 = tpu.vector_load %arg9[%swap3A_1129] {strides = array<i32>} : memref<1024xf32, #tpu.memory_space<vmem>>, vector<16xf32>,
    tpu.vector_store %arg9[%swap3A_1129], %gather3A_1128 {strides = array<i32>} : memref<1024xf32, #tpu.memory_space<vmem>>, vector<16xf32>,
    %get3A_1131 = arith.constant 752 : index
    %get3A_1132 = tpu.vector_load %arg5[%get3A_1131] {strides = array<i32>} : memref<1024xi32, #tpu.memory_space<vmem>>, vector<16xi32>,
    %gather3A_1133 = tpu.vector_load_idx %arg8[%get3A_1132] : memref<1024xf32, #tpu.memory_space<vmem>>[vector<16xi32>], vector<16xf32>,
    %swap3A_1134 = arith.constant 752 : index
    %swap3A_1135 = tpu.vector_load %arg9[%swap3A_1134] {strides = array<i32>} : memref<1024xf32, #tpu.memory_space<vmem>>, vector<16xf32>,
    tpu.vector_store %arg9[%swap3A_1134], %gather3A_1133 {strides = array<i32>} : memref<1024xf32, #tpu.memory_space<vmem>>, vector<16xf32>,
    %add3A_1136 = arith.constant 512 : i32
    %add3A_1137 = arith.addi %mul3A_2, %add3A_1136 : i32
    %dma_start3A_1138 = arith.constant 512 : i32
    %dma_start3A_1139 = tpu.memref_slice %arg9[%dma_start3A_1138] : memref<1024xf32, #tpu.memory_space<vmem>> -> memref<256xf32, #tpu.memory_space<vmem>>
    %dma_start3A_1140 = tpu.memref_slice %arg4[%add3A_1137] : memref<16384xf32, #tpu.memory_space<hbm>> -> memref<256xf32, #tpu.memory_space<hbm>>
    %dma_start3A_1141 = tpu.memref_slice %arg4[%add3A_1137] : memref<16384xf32, #tpu.memory_space<hbm>> -> memref<256xf32, #tpu.memory_space<hbm>>
    %dma_start3A_1142 = arith.constant 512 : i32
    %dma_start3A_1143 = tpu.memref_slice %arg9[%dma_start3A_1142] : memref<1024xf32, #tpu.memory_space<vmem>> -> memref<256xf32, #tpu.memory_space<vmem>>
    tpu.enqueue_dma source(%dma_start3A_1143 : memref<256xf32, #tpu.memory_space<vmem>>) target(%dma_start3A_1141 : memref<256xf32, #tpu.memory_space<hbm>>) target_semaphore(%arg13 : memref<!tpu.dma_semaphore, #tpu.memory_space<semaphore_mem>>)
    %get3A_1144 = arith.constant 768 : index
    %get3A_1145 = tpu.vector_load %arg5[%get3A_1144] {strides = array<i32>} : memref<1024xi32, #tpu.memory_space<vmem>>, vector<16xi32>,
    %gather3A_1146 = tpu.vector_load_idx %arg8[%get3A_1145] : memref<1024xf32, #tpu.memory_space<vmem>>[vector<16xi32>], vector<16xf32>,
    %swap3A_1147 = arith.constant 768 : index
    %swap3A_1148 = tpu.vector_load %arg9[%swap3A_1147] {strides = array<i32>} : memref<1024xf32, #tpu.memory_space<vmem>>, vector<16xf32>,
    tpu.vector_store %arg9[%swap3A_1147], %gather3A_1146 {strides = array<i32>} : memref<1024xf32, #tpu.memory_space<vmem>>, vector<16xf32>,
    %get3A_1149 = arith.constant 784 : index
    %get3A_1150 = tpu.vector_load %arg5[%get3A_1149] {strides = array<i32>} : memref<1024xi32, #tpu.memory_space<vmem>>, vector<16xi32>,
    %gather3A_1151 = tpu.vector_load_idx %arg8[%get3A_1150] : memref<1024xf32, #tpu.memory_space<vmem>>[vector<16xi32>], vector<16xf32>,
    %swap3A_1152 = arith.constant 784 : index
    %swap3A_1153 = tpu.vector_load %arg9[%swap3A_1152] {strides = array<i32>} : memref<1024xf32, #tpu.memory_space<vmem>>, vector<16xf32>,
    tpu.vector_store %arg9[%swap3A_1152], %gather3A_1151 {strides = array<i32>} : memref<1024xf32, #tpu.memory_space<vmem>>, vector<16xf32>,
    %get3A_1154 = arith.constant 800 : index
    %get3A_1155 = tpu.vector_load %arg5[%get3A_1154] {strides = array<i32>} : memref<1024xi32, #tpu.memory_space<vmem>>, vector<16xi32>,
    %gather3A_1156 = tpu.vector_load_idx %arg8[%get3A_1155] : memref<1024xf32, #tpu.memory_space<vmem>>[vector<16xi32>], vector<16xf32>,
    %swap3A_1157 = arith.constant 800 : index
    %swap3A_1158 = tpu.vector_load %arg9[%swap3A_1157] {strides = array<i32>} : memref<1024xf32, #tpu.memory_space<vmem>>, vector<16xf32>,
    tpu.vector_store %arg9[%swap3A_1157], %gather3A_1156 {strides = array<i32>} : memref<1024xf32, #tpu.memory_space<vmem>>, vector<16xf32>,
    %get3A_1159 = arith.constant 816 : index
    %get3A_1160 = tpu.vector_load %arg5[%get3A_1159] {strides = array<i32>} : memref<1024xi32, #tpu.memory_space<vmem>>, vector<16xi32>,
    %gather3A_1161 = tpu.vector_load_idx %arg8[%get3A_1160] : memref<1024xf32, #tpu.memory_space<vmem>>[vector<16xi32>], vector<16xf32>,
    %swap3A_1162 = arith.constant 816 : index
    %swap3A_1163 = tpu.vector_load %arg9[%swap3A_1162] {strides = array<i32>} : memref<1024xf32, #tpu.memory_space<vmem>>, vector<16xf32>,
    tpu.vector_store %arg9[%swap3A_1162], %gather3A_1161 {strides = array<i32>} : memref<1024xf32, #tpu.memory_space<vmem>>, vector<16xf32>,
    %get3A_1164 = arith.constant 832 : index
    %get3A_1165 = tpu.vector_load %arg5[%get3A_1164] {strides = array<i32>} : memref<1024xi32, #tpu.memory_space<vmem>>, vector<16xi32>,
    %gather3A_1166 = tpu.vector_load_idx %arg8[%get3A_1165] : memref<1024xf32, #tpu.memory_space<vmem>>[vector<16xi32>], vector<16xf32>,
    %swap3A_1167 = arith.constant 832 : index
    %swap3A_1168 = tpu.vector_load %arg9[%swap3A_1167] {strides = array<i32>} : memref<1024xf32, #tpu.memory_space<vmem>>, vector<16xf32>,
    tpu.vector_store %arg9[%swap3A_1167], %gather3A_1166 {strides = array<i32>} : memref<1024xf32, #tpu.memory_space<vmem>>, vector<16xf32>,
    %get3A_1169 = arith.constant 848 : index
    %get3A_1170 = tpu.vector_load %arg5[%get3A_1169] {strides = array<i32>} : memref<1024xi32, #tpu.memory_space<vmem>>, vector<16xi32>,
    %gather3A_1171 = tpu.vector_load_idx %arg8[%get3A_1170] : memref<1024xf32, #tpu.memory_space<vmem>>[vector<16xi32>], vector<16xf32>,
    %swap3A_1172 = arith.constant 848 : index
    %swap3A_1173 = tpu.vector_load %arg9[%swap3A_1172] {strides = array<i32>} : memref<1024xf32, #tpu.memory_space<vmem>>, vector<16xf32>,
    tpu.vector_store %arg9[%swap3A_1172], %gather3A_1171 {strides = array<i32>} : memref<1024xf32, #tpu.memory_space<vmem>>, vector<16xf32>,
    %get3A_1174 = arith.constant 864 : index
    %get3A_1175 = tpu.vector_load %arg5[%get3A_1174] {strides = array<i32>} : memref<1024xi32, #tpu.memory_space<vmem>>, vector<16xi32>,
    %gather3A_1176 = tpu.vector_load_idx %arg8[%get3A_1175] : memref<1024xf32, #tpu.memory_space<vmem>>[vector<16xi32>], vector<16xf32>,
    %swap3A_1177 = arith.constant 864 : index
    %swap3A_1178 = tpu.vector_load %arg9[%swap3A_1177] {strides = array<i32>} : memref<1024xf32, #tpu.memory_space<vmem>>, vector<16xf32>,
    tpu.vector_store %arg9[%swap3A_1177], %gather3A_1176 {strides = array<i32>} : memref<1024xf32, #tpu.memory_space<vmem>>, vector<16xf32>,
    %get3A_1179 = arith.constant 880 : index
    %get3A_1180 = tpu.vector_load %arg5[%get3A_1179] {strides = array<i32>} : memref<1024xi32, #tpu.memory_space<vmem>>, vector<16xi32>,
    %gather3A_1181 = tpu.vector_load_idx %arg8[%get3A_1180] : memref<1024xf32, #tpu.memory_space<vmem>>[vector<16xi32>], vector<16xf32>,
    %swap3A_1182 = arith.constant 880 : index
    %swap3A_1183 = tpu.vector_load %arg9[%swap3A_1182] {strides = array<i32>} : memref<1024xf32, #tpu.memory_space<vmem>>, vector<16xf32>,
    tpu.vector_store %arg9[%swap3A_1182], %gather3A_1181 {strides = array<i32>} : memref<1024xf32, #tpu.memory_space<vmem>>, vector<16xf32>,
    %get3A_1184 = arith.constant 896 : index
    %get3A_1185 = tpu.vector_load %arg5[%get3A_1184] {strides = array<i32>} : memref<1024xi32, #tpu.memory_space<vmem>>, vector<16xi32>,
    %gather3A_1186 = tpu.vector_load_idx %arg8[%get3A_1185] : memref<1024xf32, #tpu.memory_space<vmem>>[vector<16xi32>], vector<16xf32>,
    %swap3A_1187 = arith.constant 896 : index
    %swap3A_1188 = tpu.vector_load %arg9[%swap3A_1187] {strides = array<i32>} : memref<1024xf32, #tpu.memory_space<vmem>>, vector<16xf32>,
    tpu.vector_store %arg9[%swap3A_1187], %gather3A_1186 {strides = array<i32>} : memref<1024xf32, #tpu.memory_space<vmem>>, vector<16xf32>,
    %get3A_1189 = arith.constant 912 : index
    %get3A_1190 = tpu.vector_load %arg5[%get3A_1189] {strides = array<i32>} : memref<1024xi32, #tpu.memory_space<vmem>>, vector<16xi32>,
    %gather3A_1191 = tpu.vector_load_idx %arg8[%get3A_1190] : memref<1024xf32, #tpu.memory_space<vmem>>[vector<16xi32>], vector<16xf32>,
    %swap3A_1192 = arith.constant 912 : index
    %swap3A_1193 = tpu.vector_load %arg9[%swap3A_1192] {strides = array<i32>} : memref<1024xf32, #tpu.memory_space<vmem>>, vector<16xf32>,
    tpu.vector_store %arg9[%swap3A_1192], %gather3A_1191 {strides = array<i32>} : memref<1024xf32, #tpu.memory_space<vmem>>, vector<16xf32>,
    %get3A_1194 = arith.constant 928 : index
    %get3A_1195 = tpu.vector_load %arg5[%get3A_1194] {strides = array<i32>} : memref<1024xi32, #tpu.memory_space<vmem>>, vector<16xi32>,
    %gather3A_1196 = tpu.vector_load_idx %arg8[%get3A_1195] : memref<1024xf32, #tpu.memory_space<vmem>>[vector<16xi32>], vector<16xf32>,
    %swap3A_1197 = arith.constant 928 : index
    %swap3A_1198 = tpu.vector_load %arg9[%swap3A_1197] {strides = array<i32>} : memref<1024xf32, #tpu.memory_space<vmem>>, vector<16xf32>,
    tpu.vector_store %arg9[%swap3A_1197], %gather3A_1196 {strides = array<i32>} : memref<1024xf32, #tpu.memory_space<vmem>>, vector<16xf32>,
    %get3A_1199 = arith.constant 944 : index
    %get3A_1200 = tpu.vector_load %arg5[%get3A_1199] {strides = array<i32>} : memref<1024xi32, #tpu.memory_space<vmem>>, vector<16xi32>,
    %gather3A_1201 = tpu.vector_load_idx %arg8[%get3A_1200] : memref<1024xf32, #tpu.memory_space<vmem>>[vector<16xi32>], vector<16xf32>,
    %swap3A_1202 = arith.constant 944 : index
    %swap3A_1203 = tpu.vector_load %arg9[%swap3A_1202] {strides = array<i32>} : memref<1024xf32, #tpu.memory_space<vmem>>, vector<16xf32>,
    tpu.vector_store %arg9[%swap3A_1202], %gather3A_1201 {strides = array<i32>} : memref<1024xf32, #tpu.memory_space<vmem>>, vector<16xf32>,
    %get3A_1204 = arith.constant 960 : index
    %get3A_1205 = tpu.vector_load %arg5[%get3A_1204] {strides = array<i32>} : memref<1024xi32, #tpu.memory_space<vmem>>, vector<16xi32>,
    %gather3A_1206 = tpu.vector_load_idx %arg8[%get3A_1205] : memref<1024xf32, #tpu.memory_space<vmem>>[vector<16xi32>], vector<16xf32>,
    %swap3A_1207 = arith.constant 960 : index
    %swap3A_1208 = tpu.vector_load %arg9[%swap3A_1207] {strides = array<i32>} : memref<1024xf32, #tpu.memory_space<vmem>>, vector<16xf32>,
    tpu.vector_store %arg9[%swap3A_1207], %gather3A_1206 {strides = array<i32>} : memref<1024xf32, #tpu.memory_space<vmem>>, vector<16xf32>,
    %get3A_1209 = arith.constant 976 : index
    %get3A_1210 = tpu.vector_load %arg5[%get3A_1209] {strides = array<i32>} : memref<1024xi32, #tpu.memory_space<vmem>>, vector<16xi32>,
    %gather3A_1211 = tpu.vector_load_idx %arg8[%get3A_1210] : memref<1024xf32, #tpu.memory_space<vmem>>[vector<16xi32>], vector<16xf32>,
    %swap3A_1212 = arith.constant 976 : index
    %swap3A_1213 = tpu.vector_load %arg9[%swap3A_1212] {strides = array<i32>} : memref<1024xf32, #tpu.memory_space<vmem>>, vector<16xf32>,
    tpu.vector_store %arg9[%swap3A_1212], %gather3A_1211 {strides = array<i32>} : memref<1024xf32, #tpu.memory_space<vmem>>, vector<16xf32>,
    %get3A_1214 = arith.constant 992 : index
    %get3A_1215 = tpu.vector_load %arg5[%get3A_1214] {strides = array<i32>} : memref<1024xi32, #tpu.memory_space<vmem>>, vector<16xi32>,
    %gather3A_1216 = tpu.vector_load_idx %arg8[%get3A_1215] : memref<1024xf32, #tpu.memory_space<vmem>>[vector<16xi32>], vector<16xf32>,
    %swap3A_1217 = arith.constant 992 : index
    %swap3A_1218 = tpu.vector_load %arg9[%swap3A_1217] {strides = array<i32>} : memref<1024xf32, #tpu.memory_space<vmem>>, vector<16xf32>,
    tpu.vector_store %arg9[%swap3A_1217], %gather3A_1216 {strides = array<i32>} : memref<1024xf32, #tpu.memory_space<vmem>>, vector<16xf32>,
    %get3A_1219 = arith.constant 1008 : index
    %get3A_1220 = tpu.vector_load %arg5[%get3A_1219] {strides = array<i32>} : memref<1024xi32, #tpu.memory_space<vmem>>, vector<16xi32>,
    %gather3A_1221 = tpu.vector_load_idx %arg8[%get3A_1220] : memref<1024xf32, #tpu.memory_space<vmem>>[vector<16xi32>], vector<16xf32>,
    %swap3A_1222 = arith.constant 1008 : index
    %swap3A_1223 = tpu.vector_load %arg9[%swap3A_1222] {strides = array<i32>} : memref<1024xf32, #tpu.memory_space<vmem>>, vector<16xf32>,
    tpu.vector_store %arg9[%swap3A_1222], %gather3A_1221 {strides = array<i32>} : memref<1024xf32, #tpu.memory_space<vmem>>, vector<16xf32>,
    %add3A_1224 = arith.constant 768 : i32
    %add3A_1225 = arith.addi %mul3A_2, %add3A_1224 : i32
    %dma_start3A_1226 = arith.constant 768 : i32
    %dma_start3A_1227 = tpu.memref_slice %arg9[%dma_start3A_1226] : memref<1024xf32, #tpu.memory_space<vmem>> -> memref<256xf32, #tpu.memory_space<vmem>>
    %dma_start3A_1228 = tpu.memref_slice %arg4[%add3A_1225] : memref<16384xf32, #tpu.memory_space<hbm>> -> memref<256xf32, #tpu.memory_space<hbm>>
    %dma_start3A_1229 = tpu.memref_slice %arg4[%add3A_1225] : memref<16384xf32, #tpu.memory_space<hbm>> -> memref<256xf32, #tpu.memory_space<hbm>>
    %dma_start3A_1230 = arith.constant 768 : i32
    %dma_start3A_1231 = tpu.memref_slice %arg9[%dma_start3A_1230] : memref<1024xf32, #tpu.memory_space<vmem>> -> memref<256xf32, #tpu.memory_space<vmem>>
    tpu.enqueue_dma source(%dma_start3A_1231 : memref<256xf32, #tpu.memory_space<vmem>>) target(%dma_start3A_1229 : memref<256xf32, #tpu.memory_space<hbm>>) target_semaphore(%arg13 : memref<!tpu.dma_semaphore, #tpu.memory_space<semaphore_mem>>)
    %dma_wait3A_1232 = arith.constant 0 : i32
    %dma_wait3A_1233 = tpu.memref_slice %arg9[%dma_wait3A_1232] : memref<1024xf32, #tpu.memory_space<vmem>> -> memref<256xf32, #tpu.memory_space<vmem>>
    %dma_wait3A_1234 = tpu.memref_slice %arg4[%add3A_961] : memref<16384xf32, #tpu.memory_space<hbm>> -> memref<256xf32, #tpu.memory_space<hbm>>
    %dma_wait3A_1235 = tpu.memref_slice %arg4[%add3A_961] : memref<16384xf32, #tpu.memory_space<hbm>> -> memref<256xf32, #tpu.memory_space<hbm>>
    %dma_wait3A_1236 = arith.constant 0 : i32
    %dma_wait3A_1237 = tpu.memref_slice %arg9[%dma_wait3A_1236] : memref<1024xf32, #tpu.memory_space<vmem>> -> memref<256xf32, #tpu.memory_space<vmem>>
    tpu.wait_dma2 semaphore(%arg13 : memref<!tpu.dma_semaphore, #tpu.memory_space<semaphore_mem>>) src(%dma_wait3A_1237 : memref<256xf32, #tpu.memory_space<vmem>>) dst(%dma_wait3A_1235 : memref<256xf32, #tpu.memory_space<hbm>>)
    %dma_wait3A_1238 = arith.constant 256 : i32
    %dma_wait3A_1239 = tpu.memref_slice %arg9[%dma_wait3A_1238] : memref<1024xf32, #tpu.memory_space<vmem>> -> memref<256xf32, #tpu.memory_space<vmem>>
    %dma_wait3A_1240 = tpu.memref_slice %arg4[%add3A_1049] : memref<16384xf32, #tpu.memory_space<hbm>> -> memref<256xf32, #tpu.memory_space<hbm>>
    %dma_wait3A_1241 = tpu.memref_slice %arg4[%add3A_1049] : memref<16384xf32, #tpu.memory_space<hbm>> -> memref<256xf32, #tpu.memory_space<hbm>>
    %dma_wait3A_1242 = arith.constant 256 : i32
    %dma_wait3A_1243 = tpu.memref_slice %arg9[%dma_wait3A_1242] : memref<1024xf32, #tpu.memory_space<vmem>> -> memref<256xf32, #tpu.memory_space<vmem>>
    tpu.wait_dma2 semaphore(%arg13 : memref<!tpu.dma_semaphore, #tpu.memory_space<semaphore_mem>>) src(%dma_wait3A_1243 : memref<256xf32, #tpu.memory_space<vmem>>) dst(%dma_wait3A_1241 : memref<256xf32, #tpu.memory_space<hbm>>)
    %dma_wait3A_1244 = arith.constant 512 : i32
    %dma_wait3A_1245 = tpu.memref_slice %arg9[%dma_wait3A_1244] : memref<1024xf32, #tpu.memory_space<vmem>> -> memref<256xf32, #tpu.memory_space<vmem>>
    %dma_wait3A_1246 = tpu.memref_slice %arg4[%add3A_1137] : memref<16384xf32, #tpu.memory_space<hbm>> -> memref<256xf32, #tpu.memory_space<hbm>>
    %dma_wait3A_1247 = tpu.memref_slice %arg4[%add3A_1137] : memref<16384xf32, #tpu.memory_space<hbm>> -> memref<256xf32, #tpu.memory_space<hbm>>
    %dma_wait3A_1248 = arith.constant 512 : i32
    %dma_wait3A_1249 = tpu.memref_slice %arg9[%dma_wait3A_1248] : memref<1024xf32, #tpu.memory_space<vmem>> -> memref<256xf32, #tpu.memory_space<vmem>>
    tpu.wait_dma2 semaphore(%arg13 : memref<!tpu.dma_semaphore, #tpu.memory_space<semaphore_mem>>) src(%dma_wait3A_1249 : memref<256xf32, #tpu.memory_space<vmem>>) dst(%dma_wait3A_1247 : memref<256xf32, #tpu.memory_space<hbm>>)
    %dma_wait3A_1250 = arith.constant 768 : i32
    %dma_wait3A_1251 = tpu.memref_slice %arg9[%dma_wait3A_1250] : memref<1024xf32, #tpu.memory_space<vmem>> -> memref<256xf32, #tpu.memory_space<vmem>>
    %dma_wait3A_1252 = tpu.memref_slice %arg4[%add3A_1225] : memref<16384xf32, #tpu.memory_space<hbm>> -> memref<256xf32, #tpu.memory_space<hbm>>
    %dma_wait3A_1253 = tpu.memref_slice %arg4[%add3A_1225] : memref<16384xf32, #tpu.memory_space<hbm>> -> memref<256xf32, #tpu.memory_space<hbm>>
    %dma_wait3A_1254 = arith.constant 768 : i32
    %dma_wait3A_1255 = tpu.memref_slice %arg9[%dma_wait3A_1254] : memref<1024xf32, #tpu.memory_space<vmem>> -> memref<256xf32, #tpu.memory_space<vmem>>
    tpu.wait_dma2 semaphore(%arg13 : memref<!tpu.dma_semaphore, #tpu.memory_space<semaphore_mem>>) src(%dma_wait3A_1255 : memref<256xf32, #tpu.memory_space<vmem>>) dst(%dma_wait3A_1253 : memref<256xf32, #tpu.memory_space<hbm>>)
    return
  }
}

</mosaic_0001>

<sc_bundles>
// kernel: _run.3.cloned.1.call-start
scs
__scs_entry_jumppad:
0x0: {  	(pc) =	sbr.rel $0x88, $3  }
0x1: {  	(tag) =	ssettag $0x0;
	lr =	simm.s32 $0x1  }
0x2: {  	[smem:$0x3F9F] =	sst lr;
	_ =	strace $0xD0000000  }
0x3: {  	_ = 	snop  }
0x4: {  	_ = 	snop  }
0x5: {  	_ = 	snop  }
0x6: {  	_ = 	snop  }
0x7: {  	_ = 	snop  }
__scs_overlays_trampoline_lowered:
0x8: {  	[smem:$0x3FAE] =	sst s0  }
0x9: {  	[smem:$0x3FAF] =	sst s1  }
0xa: {  	[smem:$0x3FB0] =	sst s2  }
0xb: {  	[smem:$0x3FB1] =	sst s3  }
0xc: {  	[smem:$0x3FB2] =	sst s4  }
0xd: {  	[smem:$0x3FB3] =	sst s5  }
0xe: {  	[smem:$0x3FB4] =	sst s6  }
0xf: {  	[smem:$0x3FB5] =	sst s7  }
0x10: {  	[smem:$0x3FB6] =	sst s8  }
0x11: {  	[smem:$0x3FB7] =	sst s9;
	s0 =	simm.s32 @!p0 $0x0  }
0x12: {  	s1 =	sld [smem:$0x3F9D];
	s0 =	simm.s32 @p0 $0x1  }
0x13: {  	[smem:$0x3FB8] =	sst s0;
	s0 =	simm.s32 @!p1 $0x0  }
0x14: {  	s2 =	sld [smem:$0x3F9C];
	s0 =	simm.s32 @p1 $0x1  }
0x15: {  	[smem:$0x3FB9] =	sst s0;
	s0 =	simm.s32 @!p2 $0x0  }
0x16: {  	s3 =	sld [smem:$0x3FDB];
	s0 =	simm.s32 @p2 $0x1  }
0x17: {  	s4 =	simm.s32 $0x1BF5;
	[smem:$0x3FBB] =	sst s0  }
0x18: {  	s0 =	sld [smem:$0x3F9E];
	_ =	swait.ge [sflag:s4], $0x0  }
0x19: {  	s7 =	sld [smem:$0x3F9F]  }
0x1a: {  	s8 =	sadd.s32 $0xFFFFE003, lr  }
0x1b: {  	s9 =	sadd.s32 $0xFFFFFEF7, lr;
	s5 =	simm.s32 $0xFFFFFFFF;
	p2 =	slt.u32 s8, $0xFFFFF086  }
0x1c: {  	p1 =	slt.u32 s9, $0xF7A;
	s5 =	simm.s32 @!p2 $0x0  }
0x1d: {  	s5 =	simm.s32 @p1 $0x1;
	p0 =	seq.s32 s7, s2  }
0x1e: {  	s7 =	smul.u32 @!p0 $0xF7A, s2;
	p2 =	seq.s32 @!p0 s5, $0x0  }
0x1f: {  	s9 =	smul.u32 $0xF7A, s1;
	s8 =	simm.s32 @!p0 $0x1BF5;
	p2 =	por !p2, p0  }
0x20: {  	[sflag:s8] =	ssyncset.s32 @!p0 $0xFFFFF086;
	s6 =	sadd.s32 @!p0 s3, s7;
	s7 =	simm.s32 @!p0 $0x108  }
0x21: {  	s3 =	sadd.s32 s3, s9;
	s6 =	sadd.s32 @!p0 $0x88, s6;
	s7 =	simm.s32 @p2 $0x1082  }
0x22: {  	[simem:s7], [sflag:s8] =	dma.local @!p0 [hbm:s6], $0xF7A  }
0x23: {  	s9 =	sor.u32 $0xD0000000, s2;
	s6 =	simm.s32 $0x108;
	_ =	swait.ge @!p0 [sflag:s8], $0x0  }
0x24: {  	s3 =	sadd.s32 $0x88, s3;
	s6 =	simm.s32 @!p1 $0x1082;
	[sflag:s4] =	ssyncset.s32 $0xFFFFF086  }
0x25: {  	[simem:s6], [sflag:s4] =	dma.local [hbm:s3], $0xF7A  }
0x26: {  	[smem:$0x3F9F] =	sst s1;
	(tag) =	ssettag s2;
	_ =	strace s9  }
0x27: {  	s1 =	sld [smem:$0x3FAF]  }
0x28: {  	s2 =	sld [smem:$0x3FB0]  }
0x29: {  	s4 =	sld [smem:$0x3FB2]  }
0x2a: {  	p0 =	seq.s32 s5, $0x0;
	s5 =	sld [smem:$0x3FB3]  }
0x2b: {  	s6 =	sld [smem:$0x3FB4]  }
0x2c: {  	s7 =	sld [smem:$0x3FB5]  }
0x2d: {  	s3 =	simm.s32 $0x108;
	s8 =	sld [smem:$0x3FB6]  }
0x2e: {  	s3 =	simm.s32 @!p0 $0x1082;
	s9 =	sld [smem:$0x3FB7]  }
0x2f: {  	lr =	sadd.s32 s0, s3;
	s0 =	sld [smem:$0x3FAE]  }
0x30: {  	s3 =	sld [smem:$0x3FB1]  }
0x31: {  	[smem:$0x3FBA] =	sst s10  }
0x32: {  	s10 =	sld [smem:$0x3FB8];
	_ =	sdelay $0x3  }
0x33: {  	p0 =	seq.s32 s10, $0x1;
	s10 =	sld [smem:$0x3FBA];
	_ =	sdelay $0x3  }
0x34: {  	[smem:$0x3FBA] =	sst s10  }
0x35: {  	s10 =	sld [smem:$0x3FB9];
	_ =	sdelay $0x3  }
0x36: {  	p1 =	seq.s32 s10, $0x1;
	s10 =	sld [smem:$0x3FBA];
	_ =	sdelay $0x3  }
0x37: {  	[smem:$0x3FBA] =	sst s10  }
0x38: {  	s10 =	sld [smem:$0x3FBB]  }
0x39: {  	_ = 	snop;
	(pc) =	sbr.ind lr, $3  }
0x3a: {  	_ = 	snop  }
0x3b: {  	_ = 	snop  }
0x3c: {  	p2 =	seq.s32 s10, $0x1;
	s10 =	sld [smem:$0x3FBA]  }
0x3d: {  	_ =	shalt  }
0x3e: {  	_ =	shalt  }
0x3f: {  	_ =	shalt  }
0x40: {  	_ =	shalt  }
0x41: {  	_ =	shalt  }
0x42: {  	_ =	shalt  }
0x43: {  	_ =	shalt  }
0x44: {  	_ =	shalt  }
0x45: {  	_ =	shalt  }
0x46: {  	_ =	shalt  }
0x47: {  	_ =	shalt  }
0x48: {  	_ =	shalt  }
0x49: {  	_ =	shalt  }
0x4a: {  	_ =	shalt  }
0x4b: {  	_ =	shalt  }
0x4c: {  	_ =	shalt  }
0x4d: {  	_ =	shalt  }
0x4e: {  	_ =	shalt  }
0x4f: {  	_ =	shalt  }
0x50: {  	_ =	shalt  }
0x51: {  	_ =	shalt  }
0x52: {  	_ =	shalt  }
0x53: {  	_ =	shalt  }
0x54: {  	_ =	shalt  }
0x55: {  	_ =	shalt  }
0x56: {  	_ =	shalt  }
0x57: {  	_ =	shalt  }
0x58: {  	_ =	shalt  }
0x59: {  	_ =	shalt  }
0x5a: {  	_ =	shalt  }
0x5b: {  	_ =	shalt  }
0x5c: {  	_ =	shalt  }
0x5d: {  	_ =	shalt  }
0x5e: {  	_ =	shalt  }
0x5f: {  	_ =	shalt  }
0x60: {  	_ =	shalt  }
0x61: {  	_ =	shalt  }
0x62: {  	_ =	shalt  }
0x63: {  	_ =	shalt  }
0x64: {  	_ =	shalt  }
0x65: {  	_ =	shalt  }
0x66: {  	_ =	shalt  }
0x67: {  	_ =	shalt  }
0x68: {  	_ =	shalt  }
0x69: {  	_ =	shalt  }
0x6a: {  	_ =	shalt  }
0x6b: {  	_ =	shalt  }
0x6c: {  	_ =	shalt  }
0x6d: {  	_ =	shalt  }
0x6e: {  	_ =	shalt  }
0x6f: {  	_ =	shalt  }
0x70: {  	_ =	shalt  }
0x71: {  	_ =	shalt  }
0x72: {  	_ =	shalt  }
0x73: {  	_ =	shalt  }
0x74: {  	_ =	shalt  }
0x75: {  	_ =	shalt  }
0x76: {  	_ =	shalt  }
0x77: {  	_ =	shalt  }
0x78: {  	_ =	shalt  }
0x79: {  	_ =	shalt  }
0x7a: {  	_ =	shalt  }
0x7b: {  	_ =	shalt  }
0x7c: {  	_ =	shalt  }
0x7d: {  	_ =	shalt  }
0x7e: {  	_ =	shalt  }
0x7f: {  	_ =	shalt  }
0x80: {  	_ =	shalt  }
0x81: {  	_ =	shalt  }
0x82: {  	_ =	shalt  }
0x83: {  	_ =	shalt  }
0x84: {  	_ =	shalt  }
0x85: {  	_ =	shalt  }
0x86: {  	_ =	shalt  }
0x87: {  	_ =	shalt  }
.Lfunc_end0:
.L_simem_size_0:
called_computation_lowered:
.L_overlay_start_0:
0x88: {  	s0 =	sld [smem:$0x3FD9]  }
0x89: {  	s1 =	sld [smem:$0x3FFE];
	_ =	sdelay $0x3  }
0x8a: {  	s0 =	sadd.s32 s1, s0  }
0x8b: {  	[smem:$0x3FC6] =	sst s0  }
0x8c: {  	_ = 	snop  }
0x8d: {  	s0 =	sld [smem:$0x3FC9]  }
0x8e: {  	s17 =	sld [smem:$0x3FC8]  }
0x8f: {  	s2 =	sld [smem:$0x3FD0];
	(tm) =	ssettm $0x1  }
0x90: {  	s3 =	sld [smem:$0x3FFB];
	_ =	sdelay $0x3  }
0x91: {  	_ =	strace s3  }
0x92: {  	s3 =	sld [smem:$0x3FFC];
	_ =	sdelay $0x3  }
0x93: {  	_ =	strace s3  }
0x94: {  	s3 =	sld [smem:$0x3FFD];
	_ =	sdelay $0x3  }
0x95: {  	_ =	strace s3  }
0x96: {  	_ =	strace $0x8FFFFFFF  }
0x97: {  	s18 =	sld [smem:$0x3FDB];
	_ =	sdelay $0x1  }
0x98: {  	s4 =	simm.s32 $_scs_section_size  }
0x99: {  	s5 =	simm.s32 $_size__tile_overlayer_lowered;
	s6 =	simm.s32 $_tile_overlayer_lowered  }
0x9a: {  	s21 =	simm.s32 $0x1BFF;
	s20 =	sshll.u32 s6, $0x1;
	s3 =	sadd.s32 s4, s18  }
0x9b: {  	s7 =	simm.s32 $0x0;
	s19 =	sshll.u32 s5, $0x1;
	s5 =	sadd.s32 s20, s3  }
0x9c: {  	[timem:s7], [sflag:s21] =	dma.local [hbm:s5], s19  }
0x9d: {  	_ =	swait.ge [sflag:s21], s19  }
0x9e: {  	s4 =	ssub.s32 $0x0, s19;
	[sflag:s21] =	ssyncset.done $0x0  }
0x9f: {  	[sflag:s21] =	ssyncadd.s32 s4;
	_ =	sdelay $0x1  }
0xa0: {  	s22 =	simm.s32 $0x1B8B  }
0xa1: {  	_ =	swait.ge [sflag:s22], $0x1  }
0xa2: {  	[sflag:s22] =	ssyncset.done $0x0  }
0xa3: {  	s23 =	simm.s32 $0x1B8E;
	[sflag:s22] =	ssyncadd.s32 $0xFFFFFFFF  }
0xa4: {  	s24 =	simm.s32 $execute0_lowered;
	[smem:$0x3FD2] =	sst s23  }
0xa5: {  	s4 =	sshll.u32 s24, $0x1;
	_ =	strace $0x80000046;
	[dreg:$0x1] =	wrdreg $0xFFFFFFFF  }
0xa6: {  	s25 =	simm.s32 $_size_execute0_lowered;
	s3 =	sadd.s32 s3, s4;
	[dreg:$0x0] =	wrdreg $0x0  }
0xa7: {  	s4 =	sshll.u32 s25, $0x1;
	[dreg:$0x2] =	wrdreg s3  }
0xa8: {  	[dreg:$0x3] =	wrdreg s4  }
0xa9: {  	[dreg:$0x4] =	wrdreg $0xC0  }
0xaa: {  	_ =	task [dreg:s7], $0x5FFFF  }
0xab: {  	[dreg:$0x1] =	wrdreg $0xFFFFFFFF  }
0xac: {  	[dreg:$0x0] =	wrdreg $0x60  }
0xad: {  	[dreg:$0x2] =	wrdreg s0  }
0xae: {  	[dreg:$0x3] =	wrdreg s17  }
0xaf: {  	[dreg:$0x4] =	wrdreg s2  }
0xb0: {  	[dreg:$0x5] =	wrdreg $0xE000  }
0xb1: {  	[dreg:$0x6] =	wrdreg $0x9  }
0xb2: {  	_ =	task.clear_ibuf [dreg:s7], $0x7FFFF;
	_ =	strace $0x90000046  }
0xb3: {  	s26 =	simm.s32 $0x9;
	_ =	strace $0x80000048  }
0xb4: {  	_ =	swait.ge [sflag:s26], $0x1  }
0xb5: {  	[sflag:s26] =	ssyncadd.s32 $0xFFFFFFFF  }
0xb6: {  	_ =	strace $0x90000048  }
0xb7: {  	_ =	sfence  }
0xb8: {  	s28 =	sld [smem:$0x0];
	_ =	sdelay $0x1  }
0xb9: {  	s29 =	srdreg.scid  }
0xba: {  	s30 =	sshll.u32 s29, $0xD;
	s31 =	sshrl.u32 s29, $0x2  }
0xbb: {  	s1 =	sand.u32 $0x1, s29;
	s2 =	sand.u32 $0x4000, s30;
	s0 =	sadd.s32 s31, s28  }
0xbc: {  	s1 =	sor.u32 s2, s1;
	s0 =	sshll.u32 s0, $0x11  }
0xbd: {  	s0 =	sor.u32 s0, s1  }
0xbe: {  	s0 =	sadd.s32 $0x8F2B, s0  }
0xbf: {  	[sflag:s0] =	ssyncadd.remote.s32 $0x1  }
0xc0: {  	_ =	sfence.sel $0xFFFF  }
0xc1: {  	[dreg:$0x0] =	wrdreg $0xFFFFFFFF;
	(pc) =	sbr.abs _section_cstart, $3  }
0xc2: {  	[dreg:$0x1] =	wrdreg $0xFFFFFFFF  }
0xc3: {  	_ =	task.clear_ibuf [dreg:s7], $0x2FFFF;
	_ =	strace $0x9FFFFFFF  }
0xc4: {  	(tm) =	ssettm $0x7FFFFFFF  }
0xc5: {  	_ =	shalt  }
tec
execute0_lowered:
.L_overlay_start_1:
0x0: {  	(tag) =	ssettag $0x1  }
0x1: {  	s0 =	stileid.u32  }
0x2: {  	s5 =	sshll.u32 s0, $0x6  }
0x3: {  	v0 =	vmov s5  }
0x4: {  	v1 =	vbroadcast v0, $0x0  }
0x5: {  	v0 =	vlaneseq.u32  }
0x6: {  	v2 =	vor.u32 v0, v1  }
0x7: {  	v3 =	vmulhi.u32 $0x8421085, v2;
	_ =	sdelay $0x1  }
0x8: {  	v4 =	vsub.s32 v2, v3  }
0x9: {  	v4 =	vshrl.u32 v4, $0x1  }
0xa: {  	v3 =	vadd.s32 v3, v4  }
0xb: {  	v3 =	vshrl.u32 v3, $0x4  }
0xc: {  	v17 =	vmul.u32 $0xFFFFFFE1, v3  }
0xd: {  	s8 =	rddreg [dreg:$0x0]  }
0xe: {  	s9 =	rddreg [dreg:$0x1];
	v2 =	vadd.s32 v2, v17  }
0xf: {  	s3 =	rddreg [dreg:$0x2];
	vm0 =	veq.s32 v1, v0;
	vm1 =	vne.s32 v2, $0x0  }
0x10: {  	s6 =	rddreg [dreg:$0x3];
	v18 =	vimm.s32 $0x0;
	vm0 =	vmand vm0, vm1  }
0x11: {  	s1 =	rddreg [dreg:$0x4];
	s2 =	simm.s32 $0x0;
	v1 =	vsel vm0, $0xFFFFFFFF, v18  }
0x12: {  	[smem:$0x7FF] =	sst s2;
	v1 =	vadd.s32 v1, v3  }
0x13: {  	s7 =	simm.s32 $0x400;
	s4 =	sshll.u32 s0, $0x7;
	_ =	strace $0x80000047;
	vm15 =	vlt.s32 v1, $0x1E  }
0x14: {  	[tilespmem:s7], [sflag:$0x1] =	stream.linear.gather [hbm4b:s9+s2], $0x180, $0x38;
	v2 =	vmul.u32 $0xA, v2;
	v1 =	vnsel vm15, $0x1E, v1;
	[tilespmem:$0xE40] =	vst v63  }
0x15: {  	s16 =	simm.s32 $0x1;
	s8 =	sadd.s32 s8, s4;
	v1 =	vmul.u32 $0xA, v1  }
0x16: {  	[tilespmem:s2], [sflag:$0x2] =	stream.linear.gather [hbm4b:s8+s2], $0x400, $0x38;
	[tilespmem:$0xE40] =	vst v63  }
0x17: {  	_ =	swait.ge [sflag:s16], $0x180;
	v20 =	vor.u32 $0x1, v2  }
0x18: {  	[sflag:s16] =	ssyncset.done $0x0;
	v19 =	vor.u32 $0x1, v1  }
0x19: {  	[sflag:s16] =	ssyncadd.s32 $0xFFFFFE80;
	v7 =	vadd.s32 $0x2, v2  }
0x1a: {  	v8 =	vld.idx.msk [tilespmem:v2+s7+$0x0], $0xffff;
	v5 =	vadd.s32 $0x2, v1  }
0x1b: {  	v10 =	vadd.s32 $0x3, v2;
	v6 =	vld.idx.msk [tilespmem:v1+s7+$0x0], $0xffff  }
0x1c: {  	v4 =	vld.idx.msk [tilespmem:v20+s7+$0x0], $0xffff;
	v9 =	vadd.s32 $0x3, v1  }
0x1d: {  	v12 =	vadd.s32 $0x4, v2;
	v3 =	vld.idx.msk [tilespmem:v19+s7+$0x0], $0xffff  }
0x1e: {  	v7 =	vld.idx.msk [tilespmem:v7+s7+$0x0], $0xffff;
	v11 =	vadd.s32 $0x4, v1  }
0x1f: {  	v13 =	vadd.s32 $0x5, v1;
	v5 =	vld.idx.msk [tilespmem:v5+s7+$0x0], $0xffff  }
0x20: {  	v21 =	vadd.s32 $0x5, v2;
	v22 =	vld.idx.msk [tilespmem:v10+s7+$0x0], $0xffff;
	v6 =	vsub.f32 v6, v8  }
0x21: {  	v23 =	vadd.s32 $0x6, v2;
	v9 =	vld.idx.msk [tilespmem:v9+s7+$0x0], $0xffff  }
0x22: {  	v12 =	vld.idx.msk [tilespmem:v12+s7+$0x0], $0xffff;
	v14 =	vadd.s32 $0x6, v1;
	v3 =	vsub.f32 v3, v4;
	v6 =	vmul.f32 v6, v6  }
0x23: {  	v24 =	vadd.s32 $0x7, v2;
	v15 =	vadd.s32 $0x7, v1;
	v11 =	vld.idx.msk [tilespmem:v11+s7+$0x0], $0xffff  }
0x24: {  	v13 =	vld.idx.msk [tilespmem:v13+s7+$0x0], $0xffff;
	v5 =	vsub.f32 v5, v7;
	v3 =	vmul.f32 v3, v3;
	v6 =	vadd.f32 $9.999999960e-13, v6  }
0x25: {  	v26 =	vadd.s32 $0x8, v2;
	v25 =	vadd.s32 $0x8, v1;
	v8 =	vld.idx.msk [tilespmem:v21+s7+$0x0], $0xffff  }
0x26: {  	v10 =	vld.idx.msk [tilespmem:v23+s7+$0x0], $0xffff;
	v4 =	vsub.f32 v9, v22;
	v5 =	vmul.f32 v5, v5;
	v3 =	vadd.f32 v3, v6  }
0x27: {  	v2 =	vadd.s32 $0x9, v2;
	v1 =	vadd.s32 $0x9, v1;
	v14 =	vld.idx.msk [tilespmem:v14+s7+$0x0], $0xffff  }
0x28: {  	v28 =	vld.idx.msk [tilespmem:v15+s7+$0x0], $0xffff;
	v27 =	vsub.f32 v11, v12;
	v4 =	vmul.f32 v4, v4;
	v3 =	vadd.f32 v5, v3  }
0x29: {  	v7 =	vld.idx.msk [tilespmem:v24+s7+$0x0], $0xffff  }
0x2a: {  	v31 =	vld.idx.msk [tilespmem:v26+s7+$0x0], $0xffff;
	v29 =	vmul.f32 v27, v27;
	v30 =	vsub.f32 v13, v8;
	v3 =	vadd.f32 v4, v3  }
0x2b: {  	v6 =	vld.idx.msk [tilespmem:v25+s7+$0x0], $0xffff  }
0x2c: {  	v2 =	vld.idx.msk [tilespmem:v2+s7+$0x0], $0xffff;
	v33 =	vsub.f32 v14, v10;
	v32 =	vmul.f32 v30, v30;
	v3 =	vadd.f32 v29, v3  }
0x2d: {  	v1 =	vld.idx.msk [tilespmem:v1+s7+$0x0], $0xffff  }
0x2e: {  	v34 =	vmul.f32 v33, v33;
	v35 =	vsub.f32 v28, v7;
	v3 =	vadd.f32 v32, v3;
	_ =	sdelay $0x1  }
0x2f: {  	v36 =	vmul.f32 v35, v35;
	v37 =	vsub.f32 v6, v31;
	v3 =	vadd.f32 v34, v3;
	_ =	sdelay $0x1  }
0x30: {  	v1 =	vsub.f32 v1, v2;
	v38 =	vmul.f32 v37, v37;
	v3 =	vadd.f32 v36, v3;
	_ =	sdelay $0x1  }
0x31: {  	v1 =	vmul.f32 v1, v1;
	v39 =	vadd.f32 v38, v3;
	_ =	sdelay $0x1  }
0x32: {  	v1 =	vadd.f32 v1, v39;
	_ =	sdelay $0x1  }
0x33: {  	v2 =	vshrl.u32 v1, $0x1;
	v40 =	vmul.f32 $5.000000000e-01, v1  }
0x34: {  	v2 =	vsub.s32 $0x5F3759DF, v2  }
0x35: {  	v41 =	vmul.f32 v2, v40;
	_ =	sdelay $0x1  }
0x36: {  	v4 =	vmul.f32 v2, v41;
	_ =	sdelay $0x1  }
0x37: {  	v4 =	vsub.f32 $1.500000000e+00, v4;
	_ =	sdelay $0x1  }
0x38: {  	v2 =	vmul.f32 v2, v4;
	_ =	sdelay $0x1  }
0x39: {  	v3 =	vmul.f32 v2, v40;
	_ =	sdelay $0x1  }
0x3a: {  	v3 =	vmul.f32 v3, v2;
	_ =	sdelay $0x1  }
0x3b: {  	v3 =	vsub.f32 $1.500000000e+00, v3;
	_ =	sdelay $0x1  }
0x3c: {  	v2 =	vmul.f32 v3, v2;
	_ =	sdelay $0x1  }
0x3d: {  	v1 =	vmul.f32 v2, v1;
	_ =	sdelay $0x1  }
0x3e: {  	v1 =	vmul.f32 $-3.000000000e+00, v1;
	_ =	sdelay $0x1  }
0x3f: {  	v1 =	vmul.f32 $1.442695020e+00, v1;
	_ =	sdelay $0x1  }
0x40: {  	(erf) = vpow2.f32 v1;
	_ =	sdelay $0x8  }
0x41: {  	v1 =	vpop (erf)  }
0x42: {  	v1 =	vsub.f32 $0.0e+00, v1;
	_ =	sdelay $0x1  }
0x43: {  	v1 =	vmul.f32 $1.442695020e+00, v1;
	_ =	sdelay $0x1  }
0x44: {  	(erf) = vpow2.f32 v1;
	_ =	sdelay $0x3  }
0x45: {  	s17 =	sor.u32 $0x10, s5  }
0x46: {  	v42 =	vmov s17  }
0x47: {  	v1 =	vbroadcast v42, $0x0;
	_ =	sdelay $0x1  }
0x48: {  	v1 =	vor.u32 v0, v1  }
0x49: {  	v43 =	vmulhi.u32 $0x8421085, v1;
	v44 =	vpop (erf)  }
0x4a: {  	v3 =	vadd.f32 $1.000000000e+00, v44  }
0x4b: {  	v45 =	vsub.s32 v1, v43  }
0x4c: {  	v4 =	vshrl.u32 v45, $0x1;
	(erf) = vrcp.f32 v3  }
0x4d: {  	v2 =	vadd.s32 v43, v4  }
0x4e: {  	v2 =	vshrl.u32 v2, $0x4  }
0x4f: {  	v46 =	vmul.u32 $0xFFFFFFE1, v2  }
0x50: {  	v2 =	vmin.u32 v2, $0x1E  }
0x51: {  	v2 =	vmul.u32 $0xA, v2;
	v1 =	vadd.s32 v1, v46  }
0x52: {  	v1 =	vmul.u32 $0xA, v1;
	_ =	sdelay $0x1  }
0x53: {  	v47 =	vor.u32 $0x1, v2  }
0x54: {  	v48 =	vor.u32 $0x1, v1;
	v49 =	vpop (erf)  }
0x55: {  	v50 =	vadd.s32 $0x2, v2;
	[tilespmem:$0x580] =	vst v49  }
0x56: {  	v52 =	vadd.s32 $0x2, v1;
	v51 =	vld.idx.msk [tilespmem:v2+s7+$0x0], $0xffff  }
0x57: {  	v54 =	vadd.s32 $0x3, v2;
	v53 =	vld.idx.msk [tilespmem:v1+s7+$0x0], $0xffff  }
0x58: {  	v55 =	vadd.s32 $0x3, v1;
	v3 =	vld.idx.msk [tilespmem:v47+s7+$0x0], $0xffff  }
0x59: {  	v56 =	vadd.s32 $0x4, v2;
	v4 =	vld.idx.msk [tilespmem:v48+s7+$0x0], $0xffff  }
0x5a: {  	v57 =	vadd.s32 $0x4, v1;
	v5 =	vld.idx.msk [tilespmem:v50+s7+$0x0], $0xffff  }
0x5b: {  	v58 =	vadd.s32 $0x5, v2;
	v7 =	vld.idx.msk [tilespmem:v52+s7+$0x0], $0xffff  }
0x5c: {  	v59 =	vadd.s32 $0x5, v1;
	v9 =	vld.idx.msk [tilespmem:v54+s7+$0x0], $0xffff;
	v6 =	vsub.f32 v51, v53  }
0x5d: {  	v60 =	vadd.s32 $0x6, v2;
	v61 =	vld.idx.msk [tilespmem:v55+s7+$0x0], $0xffff  }
0x5e: {  	v62 =	vadd.s32 $0x6, v1;
	v11 =	vld.idx.msk [tilespmem:v56+s7+$0x0], $0xffff;
	v3 =	vsub.f32 v3, v4;
	v6 =	vmul.f32 v6, v6  }
0x5f: {  	v63 =	vadd.s32 $0x7, v2;
	v16 =	vadd.s32 $0x7, v1;
	v12 =	vld.idx.msk [tilespmem:v57+s7+$0x0], $0xffff  }
0x60: {  	v13 =	vld.idx.msk [tilespmem:v58+s7+$0x0], $0xffff;
	v5 =	vsub.f32 v5, v7;
	v3 =	vmul.f32 v3, v3;
	v6 =	vadd.f32 $9.999999960e-13, v6  }
0x61: {  	v17 =	vadd.s32 $0x8, v2;
	v18 =	vadd.s32 $0x8, v1;
	v8 =	vld.idx.msk [tilespmem:v59+s7+$0x0], $0xffff  }
0x62: {  	v14 =	vld.idx.msk [tilespmem:v60+s7+$0x0], $0xffff;
	v4 =	vsub.f32 v9, v61;
	v5 =	vmul.f32 v5, v5;
	v3 =	vadd.f32 v3, v6  }
0x63: {  	v2 =	vadd.s32 $0x9, v2;
	v1 =	vadd.s32 $0x9, v1;
	v10 =	vld.idx.msk [tilespmem:v62+s7+$0x0], $0xffff  }
0x64: {  	v20 =	vld.idx.msk [tilespmem:v63+s7+$0x0], $0xffff;
	v19 =	vsub.f32 v11, v12;
	v4 =	vmul.f32 v4, v4;
	v3 =	vadd.f32 v5, v3  }
0x65: {  	v7 =	vld.idx.msk [tilespmem:v16+s7+$0x0], $0xffff  }
0x66: {  	v23 =	vld.idx.msk [tilespmem:v18+s7+$0x0], $0xffff;
	v22 =	vsub.f32 v13, v8;
	v21 =	vmul.f32 v19, v19;
	v3 =	vadd.f32 v4, v3  }
0x67: {  	v6 =	vld.idx.msk [tilespmem:v17+s7+$0x0], $0xffff  }
0x68: {  	v25 =	vsub.f32 v14, v10;
	v2 =	vld.idx.msk [tilespmem:v2+s7+$0x0], $0xffff;
	v24 =	vmul.f32 v22, v22;
	v3 =	vadd.f32 v21, v3  }
0x69: {  	v1 =	vld.idx.msk [tilespmem:v1+s7+$0x0], $0xffff  }
0x6a: {  	v26 =	vmul.f32 v25, v25;
	v27 =	vsub.f32 v20, v7;
	v3 =	vadd.f32 v24, v3;
	_ =	sdelay $0x1  }
0x6b: {  	v28 =	vmul.f32 v27, v27;
	v29 =	vsub.f32 v6, v23;
	v3 =	vadd.f32 v26, v3;
	_ =	sdelay $0x1  }
0x6c: {  	v1 =	vsub.f32 v2, v1;
	v30 =	vmul.f32 v29, v29;
	v3 =	vadd.f32 v28, v3;
	_ =	sdelay $0x1  }
0x6d: {  	v1 =	vmul.f32 v1, v1;
	v31 =	vadd.f32 v30, v3;
	_ =	sdelay $0x1  }
0x6e: {  	v1 =	vadd.f32 v1, v31;
	_ =	sdelay $0x1  }
0x6f: {  	v2 =	vshrl.u32 v1, $0x1;
	v32 =	vmul.f32 $5.000000000e-01, v1  }
0x70: {  	v2 =	vsub.s32 $0x5F3759DF, v2  }
0x71: {  	v33 =	vmul.f32 v2, v32;
	_ =	sdelay $0x1  }
0x72: {  	v4 =	vmul.f32 v2, v33;
	_ =	sdelay $0x1  }
0x73: {  	v4 =	vsub.f32 $1.500000000e+00, v4;
	_ =	sdelay $0x1  }
0x74: {  	v2 =	vmul.f32 v2, v4;
	_ =	sdelay $0x1  }
0x75: {  	v3 =	vmul.f32 v2, v32;
	_ =	sdelay $0x1  }
0x76: {  	v3 =	vmul.f32 v3, v2;
	_ =	sdelay $0x1  }
0x77: {  	v3 =	vsub.f32 $1.500000000e+00, v3;
	_ =	sdelay $0x1  }
0x78: {  	v2 =	vmul.f32 v3, v2;
	_ =	sdelay $0x1  }
0x79: {  	v1 =	vmul.f32 v2, v1;
	_ =	sdelay $0x1  }
0x7a: {  	v1 =	vmul.f32 $-3.000000000e+00, v1;
	_ =	sdelay $0x1  }
0x7b: {  	v1 =	vmul.f32 $1.442695020e+00, v1;
	_ =	sdelay $0x1  }
0x7c: {  	(erf) = vpow2.f32 v1;
	_ =	sdelay $0x8  }
0x7d: {  	v1 =	vpop (erf)  }
0x7e: {  	v1 =	vsub.f32 $0.0e+00, v1;
	_ =	sdelay $0x1  }
0x7f: {  	v1 =	vmul.f32 $1.442695020e+00, v1;
	_ =	sdelay $0x1  }
0x80: {  	(erf) = vpow2.f32 v1;
	_ =	sdelay $0x3  }
0x81: {  	s18 =	sor.u32 $0x20, s5  }
0x82: {  	v34 =	vmov s18  }
0x83: {  	v1 =	vbroadcast v34, $0x0;
	_ =	sdelay $0x1  }
0x84: {  	v1 =	vor.u32 v0, v1  }
0x85: {  	v35 =	vmulhi.u32 $0x8421085, v1;
	v36 =	vpop (erf)  }
0x86: {  	v3 =	vadd.f32 $1.000000000e+00, v36  }
0x87: {  	v37 =	vsub.s32 v1, v35  }
0x88: {  	v4 =	vshrl.u32 v37, $0x1;
	(erf) = vrcp.f32 v3  }
0x89: {  	v2 =	vadd.s32 v35, v4  }
0x8a: {  	v2 =	vshrl.u32 v2, $0x4  }
0x8b: {  	v38 =	vmul.u32 $0xFFFFFFE1, v2  }
0x8c: {  	v2 =	vmin.u32 v2, $0x1E  }
0x8d: {  	v2 =	vmul.u32 $0xA, v2;
	v1 =	vadd.s32 v1, v38  }
0x8e: {  	v1 =	vmul.u32 $0xA, v1;
	_ =	sdelay $0x1  }
0x8f: {  	v39 =	vor.u32 $0x1, v2  }
0x90: {  	v40 =	vor.u32 $0x1, v1;
	v41 =	vpop (erf)  }
0x91: {  	v42 =	vadd.s32 $0x2, v2;
	[tilespmem:$0x590] =	vst v41  }
0x92: {  	v43 =	vadd.s32 $0x2, v1;
	v44 =	vld.idx.msk [tilespmem:v2+s7+$0x0], $0xffff  }
0x93: {  	v46 =	vadd.s32 $0x3, v2;
	v45 =	vld.idx.msk [tilespmem:v1+s7+$0x0], $0xffff  }
0x94: {  	v47 =	vadd.s32 $0x3, v1;
	v3 =	vld.idx.msk [tilespmem:v39+s7+$0x0], $0xffff  }
0x95: {  	v48 =	vadd.s32 $0x4, v2;
	v4 =	vld.idx.msk [tilespmem:v40+s7+$0x0], $0xffff  }
0x96: {  	v49 =	vadd.s32 $0x4, v1;
	v6 =	vld.idx.msk [tilespmem:v42+s7+$0x0], $0xffff  }
0x97: {  	v50 =	vadd.s32 $0x5, v2;
	v5 =	vld.idx.msk [tilespmem:v43+s7+$0x0], $0xffff  }
0x98: {  	v51 =	vadd.s32 $0x5, v1;
	v9 =	vld.idx.msk [tilespmem:v46+s7+$0x0], $0xffff;
	v7 =	vsub.f32 v44, v45  }
0x99: {  	v52 =	vadd.s32 $0x6, v2;
	v53 =	vld.idx.msk [tilespmem:v47+s7+$0x0], $0xffff  }
0x9a: {  	v54 =	vadd.s32 $0x6, v1;
	v11 =	vld.idx.msk [tilespmem:v48+s7+$0x0], $0xffff;
	v3 =	vsub.f32 v3, v4;
	v7 =	vmul.f32 v7, v7  }
0x9b: {  	v55 =	vadd.s32 $0x7, v2;
	v57 =	vadd.s32 $0x7, v1;
	v56 =	vld.idx.msk [tilespmem:v49+s7+$0x0], $0xffff  }
0x9c: {  	v13 =	vld.idx.msk [tilespmem:v50+s7+$0x0], $0xffff;
	v5 =	vsub.f32 v6, v5;
	v3 =	vmul.f32 v3, v3;
	v7 =	vadd.f32 $9.999999960e-13, v7  }
0x9d: {  	v58 =	vadd.s32 $0x8, v2;
	v59 =	vadd.s32 $0x8, v1;
	v8 =	vld.idx.msk [tilespmem:v51+s7+$0x0], $0xffff  }
0x9e: {  	v14 =	vld.idx.msk [tilespmem:v52+s7+$0x0], $0xffff;
	v4 =	vsub.f32 v9, v53;
	v5 =	vmul.f32 v5, v5;
	v3 =	vadd.f32 v3, v7  }
0x9f: {  	v2 =	vadd.s32 $0x9, v2;
	v60 =	vld.idx.msk [tilespmem:v54+s7+$0x0], $0xffff;
	v1 =	vadd.s32 $0x9, v1  }
0xa0: {  	v61 =	vld.idx.msk [tilespmem:v55+s7+$0x0], $0xffff;
	v6 =	vsub.f32 v11, v56;
	v4 =	vmul.f32 v4, v4;
	v3 =	vadd.f32 v5, v3  }
0xa1: {  	v62 =	vld.idx.msk [tilespmem:v57+s7+$0x0], $0xffff  }
0xa2: {  	v12 =	vsub.f32 v13, v8;
	v13 =	vld.idx.msk [tilespmem:v59+s7+$0x0], $0xffff;
	v63 =	vmul.f32 v6, v6;
	v3 =	vadd.f32 v4, v3  }
0xa3: {  	v7 =	vld.idx.msk [tilespmem:v58+s7+$0x0], $0xffff  }
0xa4: {  	v2 =	vld.idx.msk [tilespmem:v2+s7+$0x0], $0xffff;
	v15 =	vmul.f32 v12, v12;
	v5 =	vsub.f32 v14, v60;
	v3 =	vadd.f32 v63, v3  }
0xa5: {  	v1 =	vld.idx.msk [tilespmem:v1+s7+$0x0], $0xffff  }
0xa6: {  	v17 =	vsub.f32 v61, v62;
	v16 =	vmul.f32 v5, v5;
	v3 =	vadd.f32 v15, v3;
	_ =	sdelay $0x1  }
0xa7: {  	v18 =	vmul.f32 v17, v17;
	v19 =	vsub.f32 v7, v13;
	v3 =	vadd.f32 v16, v3;
	_ =	sdelay $0x1  }
0xa8: {  	v1 =	vsub.f32 v2, v1;
	v20 =	vmul.f32 v19, v19;
	v3 =	vadd.f32 v18, v3;
	_ =	sdelay $0x1  }
0xa9: {  	v1 =	vmul.f32 v1, v1;
	v21 =	vadd.f32 v20, v3;
	_ =	sdelay $0x1  }
0xaa: {  	v1 =	vadd.f32 v1, v21;
	_ =	sdelay $0x1  }
0xab: {  	v2 =	vshrl.u32 v1, $0x1;
	v22 =	vmul.f32 $5.000000000e-01, v1  }
0xac: {  	v2 =	vsub.s32 $0x5F3759DF, v2  }
0xad: {  	v23 =	vmul.f32 v2, v22;
	_ =	sdelay $0x1  }
0xae: {  	v4 =	vmul.f32 v2, v23;
	_ =	sdelay $0x1  }
0xaf: {  	v4 =	vsub.f32 $1.500000000e+00, v4;
	_ =	sdelay $0x1  }
0xb0: {  	v2 =	vmul.f32 v2, v4;
	_ =	sdelay $0x1  }
0xb1: {  	v3 =	vmul.f32 v2, v22;
	_ =	sdelay $0x1  }
0xb2: {  	v3 =	vmul.f32 v3, v2;
	_ =	sdelay $0x1  }
0xb3: {  	v3 =	vsub.f32 $1.500000000e+00, v3;
	_ =	sdelay $0x1  }
0xb4: {  	v2 =	vmul.f32 v3, v2;
	_ =	sdelay $0x1  }
0xb5: {  	v1 =	vmul.f32 v2, v1;
	_ =	sdelay $0x1  }
0xb6: {  	v1 =	vmul.f32 $-3.000000000e+00, v1;
	_ =	sdelay $0x1  }
0xb7: {  	v1 =	vmul.f32 $1.442695020e+00, v1;
	_ =	sdelay $0x1  }
0xb8: {  	(erf) = vpow2.f32 v1;
	_ =	sdelay $0x8  }
0xb9: {  	v1 =	vpop (erf)  }
0xba: {  	v1 =	vsub.f32 $0.0e+00, v1;
	_ =	sdelay $0x1  }
0xbb: {  	v1 =	vmul.f32 $1.442695020e+00, v1;
	_ =	sdelay $0x1  }
0xbc: {  	(erf) = vpow2.f32 v1;
	_ =	sdelay $0x3  }
0xbd: {  	s19 =	sor.u32 $0x30, s5  }
0xbe: {  	v24 =	vmov s19  }
0xbf: {  	v1 =	vbroadcast v24, $0x0;
	_ =	sdelay $0x1  }
0xc0: {  	v0 =	vor.u32 v0, v1  }
0xc1: {  	v1 =	vmulhi.u32 $0x8421085, v0;
	v25 =	vpop (erf)  }
0xc2: {  	v2 =	vadd.f32 $1.000000000e+00, v25  }
0xc3: {  	v26 =	vsub.s32 v0, v1  }
0xc4: {  	v3 =	vshrl.u32 v26, $0x1;
	(erf) = vrcp.f32 v2  }
0xc5: {  	v1 =	vadd.s32 v1, v3  }
0xc6: {  	v1 =	vshrl.u32 v1, $0x4  }
0xc7: {  	v27 =	vmul.u32 $0xFFFFFFE1, v1  }
0xc8: {  	v1 =	vmin.u32 v1, $0x1E  }
0xc9: {  	v1 =	vmul.u32 $0xA, v1;
	v0 =	vadd.s32 v0, v27  }
0xca: {  	v0 =	vmul.u32 $0xA, v0;
	_ =	sdelay $0x1  }
0xcb: {  	v28 =	vor.u32 $0x1, v1  }
0xcc: {  	v29 =	vor.u32 $0x1, v0;
	v30 =	vpop (erf)  }
0xcd: {  	v31 =	vadd.s32 $0x2, v1;
	[tilespmem:$0x5A0] =	vst v30  }
0xce: {  	v32 =	vadd.s32 $0x2, v0;
	v33 =	vld.idx.msk [tilespmem:v1+s7+$0x0], $0xffff  }
0xcf: {  	v35 =	vadd.s32 $0x3, v1;
	v34 =	vld.idx.msk [tilespmem:v0+s7+$0x0], $0xffff  }
0xd0: {  	v36 =	vadd.s32 $0x3, v0;
	v2 =	vld.idx.msk [tilespmem:v28+s7+$0x0], $0xffff  }
0xd1: {  	v37 =	vadd.s32 $0x4, v1;
	v3 =	vld.idx.msk [tilespmem:v29+s7+$0x0], $0xffff  }
0xd2: {  	v38 =	vadd.s32 $0x4, v0;
	v5 =	vld.idx.msk [tilespmem:v31+s7+$0x0], $0xffff  }
0xd3: {  	v39 =	vadd.s32 $0x5, v1;
	v4 =	vld.idx.msk [tilespmem:v32+s7+$0x0], $0xffff  }
0xd4: {  	v40 =	vadd.s32 $0x5, v0;
	v8 =	vld.idx.msk [tilespmem:v35+s7+$0x0], $0xffff;
	v6 =	vsub.f32 v33, v34  }
0xd5: {  	v41 =	vadd.s32 $0x6, v1;
	v42 =	vld.idx.msk [tilespmem:v36+s7+$0x0], $0xffff  }
0xd6: {  	v43 =	vadd.s32 $0x6, v0;
	v10 =	vld.idx.msk [tilespmem:v37+s7+$0x0], $0xffff;
	v2 =	vsub.f32 v2, v3;
	v6 =	vmul.f32 v6, v6  }
0xd7: {  	v44 =	vadd.s32 $0x7, v1;
	v46 =	vadd.s32 $0x7, v0;
	v45 =	vld.idx.msk [tilespmem:v38+s7+$0x0], $0xffff  }
0xd8: {  	v12 =	vld.idx.msk [tilespmem:v39+s7+$0x0], $0xffff;
	v4 =	vsub.f32 v5, v4;
	v2 =	vmul.f32 v2, v2;
	v6 =	vadd.f32 $9.999999960e-13, v6  }
0xd9: {  	v47 =	vadd.s32 $0x8, v1;
	v48 =	vadd.s32 $0x8, v0;
	v7 =	vld.idx.msk [tilespmem:v40+s7+$0x0], $0xffff  }
0xda: {  	v13 =	vld.idx.msk [tilespmem:v41+s7+$0x0], $0xffff;
	v3 =	vsub.f32 v8, v42;
	v4 =	vmul.f32 v4, v4;
	v2 =	vadd.f32 v2, v6  }
0xdb: {  	v1 =	vadd.s32 $0x9, v1;
	v49 =	vld.idx.msk [tilespmem:v43+s7+$0x0], $0xffff;
	v0 =	vadd.s32 $0x9, v0  }
0xdc: {  	v50 =	vld.idx.msk [tilespmem:v44+s7+$0x0], $0xffff;
	v5 =	vsub.f32 v10, v45;
	v3 =	vmul.f32 v3, v3;
	v2 =	vadd.f32 v4, v2  }
0xdd: {  	v51 =	vld.idx.msk [tilespmem:v46+s7+$0x0], $0xffff  }
0xde: {  	v53 =	vld.idx.msk [tilespmem:v48+s7+$0x0], $0xffff;
	v52 =	vsub.f32 v12, v7;
	v5 =	vmul.f32 v5, v5;
	v2 =	vadd.f32 v3, v2  }
0xdf: {  	v6 =	vld.idx.msk [tilespmem:v47+s7+$0x0], $0xffff  }
0xe0: {  	v1 =	vld.idx.msk [tilespmem:v1+s7+$0x0], $0xffff;
	v4 =	vsub.f32 v13, v49;
	v3 =	vmul.f32 v52, v52;
	v2 =	vadd.f32 v5, v2  }
0xe1: {  	v0 =	vld.idx.msk [tilespmem:v0+s7+$0x0], $0xffff  }
0xe2: {  	v54 =	vsub.f32 v50, v51;
	v4 =	vmul.f32 v4, v4;
	v2 =	vadd.f32 v3, v2;
	_ =	sdelay $0x1  }
0xe3: {  	v55 =	vsub.f32 v6, v53;
	v3 =	vmul.f32 v54, v54;
	v2 =	vadd.f32 v4, v2;
	_ =	sdelay $0x1  }
0xe4: {  	v0 =	vsub.f32 v1, v0;
	v56 =	vmul.f32 v55, v55;
	v2 =	vadd.f32 v3, v2;
	_ =	sdelay $0x1  }
0xe5: {  	v0 =	vmul.f32 v0, v0;
	v57 =	vadd.f32 v56, v2;
	_ =	sdelay $0x1  }
0xe6: {  	v0 =	vadd.f32 v0, v57;
	_ =	sdelay $0x1  }
0xe7: {  	v1 =	vshrl.u32 v0, $0x1;
	v58 =	vmul.f32 $5.000000000e-01, v0  }
0xe8: {  	v1 =	vsub.s32 $0x5F3759DF, v1  }
0xe9: {  	v59 =	vmul.f32 v1, v58;
	_ =	sdelay $0x1  }
0xea: {  	v3 =	vmul.f32 v1, v59;
	_ =	sdelay $0x1  }
0xeb: {  	v3 =	vsub.f32 $1.500000000e+00, v3;
	_ =	sdelay $0x1  }
0xec: {  	v1 =	vmul.f32 v1, v3;
	_ =	sdelay $0x1  }
0xed: {  	v2 =	vmul.f32 v1, v58;
	_ =	sdelay $0x1  }
0xee: {  	v2 =	vmul.f32 v2, v1;
	_ =	sdelay $0x1  }
0xef: {  	v2 =	vsub.f32 $1.500000000e+00, v2;
	_ =	sdelay $0x1  }
0xf0: {  	v1 =	vmul.f32 v2, v1;
	_ =	sdelay $0x1  }
0xf1: {  	v0 =	vmul.f32 v1, v0;
	_ =	sdelay $0x1  }
0xf2: {  	v0 =	vmul.f32 $-3.000000000e+00, v0;
	_ =	sdelay $0x1  }
0xf3: {  	v0 =	vmul.f32 $1.442695020e+00, v0;
	_ =	sdelay $0x1  }
0xf4: {  	(erf) = vpow2.f32 v0;
	_ =	sdelay $0x8  }
0xf5: {  	v0 =	vpop (erf)  }
0xf6: {  	v0 =	vsub.f32 $0.0e+00, v0;
	_ =	sdelay $0x1  }
0xf7: {  	v0 =	vmul.f32 $1.442695020e+00, v0;
	_ =	sdelay $0x1  }
0xf8: {  	(erf) = vpow2.f32 v0;
	_ =	sdelay $0x8  }
0xf9: {  	v0 =	vpop (erf)  }
0xfa: {  	v0 =	vadd.f32 $1.000000000e+00, v0;
	_ =	sdelay $0x1  }
0xfb: {  	(erf) = vrcp.f32 v0;
	_ =	sdelay $0x8  }
0xfc: {  	v0 =	vpop (erf)  }
0xfd: {  	s20 =	simm.s32 $0x580;
	s21 =	simm.s32 $0x4;
	s5 =	sadd.s32 s5, s6;
	[tilespmem:$0x5B0] =	vst v0  }
0xfe: {  	[spmem:s5] =	stream.linear.scatter [tilespmem:s20], [sflag:$0x4], $0x40, $0x38;
	[tilespmem:$0xE40] =	vst v63  }
0xff: {  	_ =	swait.ge [sflag:s21], $0x40  }
0x100: {  	[sflag:s21] =	ssyncset.done $0x0  }
0x101: {  	[sflag:s21] =	ssyncadd.s32 $0xFFFFFFC0  }
0x102: {  	s22 =	simm.s32 $0x600;
	[bflag:$0x0] =	sbarrier.arrive $0xFFFF  }
0x103: {  	[tilespmem:s22], [sflag:$0x4] =	stream.linear.gather [spmem:s6], $0x3C8, $0x38;
	[tilespmem:$0xE40] =	vst v63  }
0x104: {  	_ =	swait.ge [sflag:s21], $0x3C8  }
0x105: {  	[sflag:s21] =	ssyncset.done $0x0  }
0x106: {  	s23 =	simm.s32 $0x2;
	[sflag:s21] =	ssyncadd.s32 $0xFFFFFC38  }
0x107: {  	_ =	swait.ge [sflag:s23], $0x400  }
0x108: {  	[sflag:s23] =	ssyncset.done $0x0  }
0x109: {  	[sflag:s23] =	ssyncadd.s32 $0xFFFFFC00  }
0x10a: {  	v60 =	vld [tilespmem:$0x0];
	_ =	sdelay $0x5  }
0x10b: {  	v61 =	vld [tilespmem:$0x10];
	_ =	sdelay $0x1  }
0x10c: {  	v0 =	vld.idx.msk [tilespmem:v60+s22+$0x0], $0xffff;
	_ =	sdelay $0x3  }
0x10d: {  	v62 =	vld [tilespmem:$0x20]  }
0x10e: {  	[tilespmem:$0xA00] =	vst v0  }
0x10f: {  	v0 =	vld.idx.msk [tilespmem:v61+s22+$0x0], $0xffff;
	_ =	sdelay $0x3  }
0x110: {  	v63 =	vld [tilespmem:$0x30]  }
0x111: {  	[tilespmem:$0xA10] =	vst v0  }
0x112: {  	v0 =	vld.idx.msk [tilespmem:v62+s22+$0x0], $0xffff;
	_ =	sdelay $0x3  }
0x113: {  	v4 =	vld [tilespmem:$0x40]  }
0x114: {  	[tilespmem:$0xA20] =	vst v0  }
0x115: {  	v0 =	vld.idx.msk [tilespmem:v63+s22+$0x0], $0xffff;
	_ =	sdelay $0x3  }
0x116: {  	v5 =	vld [tilespmem:$0x50]  }
0x117: {  	[tilespmem:$0xA30] =	vst v0  }
0x118: {  	v0 =	vld.idx.msk [tilespmem:v4+s22+$0x0], $0xffff;
	_ =	sdelay $0x3  }
0x119: {  	v6 =	vld [tilespmem:$0x60]  }
0x11a: {  	[tilespmem:$0xA40] =	vst v0  }
0x11b: {  	v0 =	vld.idx.msk [tilespmem:v5+s22+$0x0], $0xffff;
	_ =	sdelay $0x3  }
0x11c: {  	v7 =	vld [tilespmem:$0x70]  }
0x11d: {  	[tilespmem:$0xA50] =	vst v0  }
0x11e: {  	v0 =	vld.idx.msk [tilespmem:v6+s22+$0x0], $0xffff;
	_ =	sdelay $0x3  }
0x11f: {  	v8 =	vld [tilespmem:$0x80]  }
0x120: {  	[tilespmem:$0xA60] =	vst v0  }
0x121: {  	v0 =	vld.idx.msk [tilespmem:v7+s22+$0x0], $0xffff;
	_ =	sdelay $0x3  }
0x122: {  	v9 =	vld [tilespmem:$0x90]  }
0x123: {  	[tilespmem:$0xA70] =	vst v0  }
0x124: {  	v0 =	vld.idx.msk [tilespmem:v8+s22+$0x0], $0xffff;
	_ =	sdelay $0x3  }
0x125: {  	v10 =	vld [tilespmem:$0xA0]  }
0x126: {  	[tilespmem:$0xA80] =	vst v0  }
0x127: {  	v0 =	vld.idx.msk [tilespmem:v9+s22+$0x0], $0xffff;
	_ =	sdelay $0x3  }
0x128: {  	v11 =	vld [tilespmem:$0xB0]  }
0x129: {  	[tilespmem:$0xA90] =	vst v0  }
0x12a: {  	v0 =	vld.idx.msk [tilespmem:v10+s22+$0x0], $0xffff;
	_ =	sdelay $0x3  }
0x12b: {  	v12 =	vld [tilespmem:$0xC0]  }
0x12c: {  	[tilespmem:$0xAA0] =	vst v0  }
0x12d: {  	v0 =	vld.idx.msk [tilespmem:v11+s22+$0x0], $0xffff;
	_ =	sdelay $0x3  }
0x12e: {  	v13 =	vld [tilespmem:$0xD0]  }
0x12f: {  	[tilespmem:$0xAB0] =	vst v0  }
0x130: {  	v0 =	vld.idx.msk [tilespmem:v12+s22+$0x0], $0xffff;
	_ =	sdelay $0x3  }
0x131: {  	v14 =	vld [tilespmem:$0xE0]  }
0x132: {  	[tilespmem:$0xAC0] =	vst v0  }
0x133: {  	v0 =	vld.idx.msk [tilespmem:v13+s22+$0x0], $0xffff;
	_ =	sdelay $0x3  }
0x134: {  	v15 =	vld [tilespmem:$0xF0]  }
0x135: {  	[tilespmem:$0xAD0] =	vst v0  }
0x136: {  	v0 =	vld.idx.msk [tilespmem:v14+s22+$0x0], $0xffff;
	_ =	sdelay $0x4  }
0x137: {  	[tilespmem:$0xAE0] =	vst v0  }
0x138: {  	v0 =	vld.idx.msk [tilespmem:v15+s22+$0x0], $0xffff;
	_ =	sdelay $0x4  }
0x139: {  	s24 =	simm.s32 $0xA00;
	s3 =	sadd.s32 s3, s4;
	[tilespmem:$0xAF0] =	vst v0  }
0x13a: {  	[hbm4b:s3+s2] =	stream.linear.scatter [tilespmem:s24], [sflag:$0x3], $0x100, $0x38;
	[tilespmem:$0xE40] =	vst v63  }
0x13b: {  	v16 =	vld [tilespmem:$0x100];
	_ =	sdelay $0x5  }
0x13c: {  	v17 =	vld [tilespmem:$0x110];
	_ =	sdelay $0x1  }
0x13d: {  	v0 =	vld.idx.msk [tilespmem:v16+s22+$0x0], $0xffff;
	_ =	sdelay $0x3  }
0x13e: {  	v18 =	vld [tilespmem:$0x120]  }
0x13f: {  	[tilespmem:$0xB00] =	vst v0  }
0x140: {  	v0 =	vld.idx.msk [tilespmem:v17+s22+$0x0], $0xffff;
	_ =	sdelay $0x3  }
0x141: {  	v19 =	vld [tilespmem:$0x130]  }
0x142: {  	[tilespmem:$0xB10] =	vst v0  }
0x143: {  	v0 =	vld.idx.msk [tilespmem:v18+s22+$0x0], $0xffff;
	_ =	sdelay $0x3  }
0x144: {  	v20 =	vld [tilespmem:$0x140]  }
0x145: {  	[tilespmem:$0xB20] =	vst v0  }
0x146: {  	v0 =	vld.idx.msk [tilespmem:v19+s22+$0x0], $0xffff;
	_ =	sdelay $0x3  }
0x147: {  	v21 =	vld [tilespmem:$0x150]  }
0x148: {  	[tilespmem:$0xB30] =	vst v0  }
0x149: {  	v0 =	vld.idx.msk [tilespmem:v20+s22+$0x0], $0xffff;
	_ =	sdelay $0x3  }
0x14a: {  	v22 =	vld [tilespmem:$0x160]  }
0x14b: {  	[tilespmem:$0xB40] =	vst v0  }
0x14c: {  	v0 =	vld.idx.msk [tilespmem:v21+s22+$0x0], $0xffff;
	_ =	sdelay $0x3  }
0x14d: {  	v23 =	vld [tilespmem:$0x170]  }
0x14e: {  	[tilespmem:$0xB50] =	vst v0  }
0x14f: {  	v0 =	vld.idx.msk [tilespmem:v22+s22+$0x0], $0xffff;
	_ =	sdelay $0x3  }
0x150: {  	v24 =	vld [tilespmem:$0x180]  }
0x151: {  	[tilespmem:$0xB60] =	vst v0  }
0x152: {  	v0 =	vld.idx.msk [tilespmem:v23+s22+$0x0], $0xffff;
	_ =	sdelay $0x3  }
0x153: {  	v25 =	vld [tilespmem:$0x190]  }
0x154: {  	[tilespmem:$0xB70] =	vst v0  }
0x155: {  	v0 =	vld.idx.msk [tilespmem:v24+s22+$0x0], $0xffff;
	_ =	sdelay $0x3  }
0x156: {  	v26 =	vld [tilespmem:$0x1A0]  }
0x157: {  	[tilespmem:$0xB80] =	vst v0  }
0x158: {  	v0 =	vld.idx.msk [tilespmem:v25+s22+$0x0], $0xffff;
	_ =	sdelay $0x3  }
0x159: {  	v27 =	vld [tilespmem:$0x1B0]  }
0x15a: {  	[tilespmem:$0xB90] =	vst v0  }
0x15b: {  	v0 =	vld.idx.msk [tilespmem:v26+s22+$0x0], $0xffff;
	_ =	sdelay $0x3  }
0x15c: {  	v28 =	vld [tilespmem:$0x1C0]  }
0x15d: {  	[tilespmem:$0xBA0] =	vst v0  }
0x15e: {  	v0 =	vld.idx.msk [tilespmem:v27+s22+$0x0], $0xffff;
	_ =	sdelay $0x3  }
0x15f: {  	v29 =	vld [tilespmem:$0x1D0]  }
0x160: {  	[tilespmem:$0xBB0] =	vst v0  }
0x161: {  	v0 =	vld.idx.msk [tilespmem:v28+s22+$0x0], $0xffff;
	_ =	sdelay $0x3  }
0x162: {  	v30 =	vld [tilespmem:$0x1E0]  }
0x163: {  	[tilespmem:$0xBC0] =	vst v0  }
0x164: {  	v0 =	vld.idx.msk [tilespmem:v29+s22+$0x0], $0xffff;
	_ =	sdelay $0x3  }
0x165: {  	v31 =	vld [tilespmem:$0x1F0]  }
0x166: {  	[tilespmem:$0xBD0] =	vst v0  }
0x167: {  	v0 =	vld.idx.msk [tilespmem:v30+s22+$0x0], $0xffff;
	_ =	sdelay $0x4  }
0x168: {  	[tilespmem:$0xBE0] =	vst v0  }
0x169: {  	v0 =	vld.idx.msk [tilespmem:v31+s22+$0x0], $0xffff;
	_ =	sdelay $0x4  }
0x16a: {  	s26 =	simm.s32 $0xB00;
	s25 =	sadd.s32 $0x20, s3;
	[tilespmem:$0xBF0] =	vst v0  }
0x16b: {  	[hbm4b:s25+s2] =	stream.linear.scatter [tilespmem:s26], [sflag:$0x3], $0x100, $0x38;
	[tilespmem:$0xE40] =	vst v63  }
0x16c: {  	v32 =	vld [tilespmem:$0x200];
	_ =	sdelay $0x5  }
0x16d: {  	v33 =	vld [tilespmem:$0x210];
	_ =	sdelay $0x1  }
0x16e: {  	v0 =	vld.idx.msk [tilespmem:v32+s22+$0x0], $0xffff;
	_ =	sdelay $0x3  }
0x16f: {  	v34 =	vld [tilespmem:$0x220]  }
0x170: {  	[tilespmem:$0xC00] =	vst v0  }
0x171: {  	v0 =	vld.idx.msk [tilespmem:v33+s22+$0x0], $0xffff;
	_ =	sdelay $0x3  }
0x172: {  	v35 =	vld [tilespmem:$0x230]  }
0x173: {  	[tilespmem:$0xC10] =	vst v0  }
0x174: {  	v0 =	vld.idx.msk [tilespmem:v34+s22+$0x0], $0xffff;
	_ =	sdelay $0x3  }
0x175: {  	v36 =	vld [tilespmem:$0x240]  }
0x176: {  	[tilespmem:$0xC20] =	vst v0  }
0x177: {  	v0 =	vld.idx.msk [tilespmem:v35+s22+$0x0], $0xffff;
	_ =	sdelay $0x3  }
0x178: {  	v37 =	vld [tilespmem:$0x250]  }
0x179: {  	[tilespmem:$0xC30] =	vst v0  }
0x17a: {  	v0 =	vld.idx.msk [tilespmem:v36+s22+$0x0], $0xffff;
	_ =	sdelay $0x3  }
0x17b: {  	v38 =	vld [tilespmem:$0x260]  }
0x17c: {  	[tilespmem:$0xC40] =	vst v0  }
0x17d: {  	v0 =	vld.idx.msk [tilespmem:v37+s22+$0x0], $0xffff;
	_ =	sdelay $0x3  }
0x17e: {  	v39 =	vld [tilespmem:$0x270]  }
0x17f: {  	[tilespmem:$0xC50] =	vst v0  }
0x180: {  	v0 =	vld.idx.msk [tilespmem:v38+s22+$0x0], $0xffff;
	_ =	sdelay $0x3  }
0x181: {  	v40 =	vld [tilespmem:$0x280]  }
0x182: {  	[tilespmem:$0xC60] =	vst v0  }
0x183: {  	v0 =	vld.idx.msk [tilespmem:v39+s22+$0x0], $0xffff;
	_ =	sdelay $0x3  }
0x184: {  	v41 =	vld [tilespmem:$0x290]  }
0x185: {  	[tilespmem:$0xC70] =	vst v0  }
0x186: {  	v0 =	vld.idx.msk [tilespmem:v40+s22+$0x0], $0xffff;
	_ =	sdelay $0x3  }
0x187: {  	v42 =	vld [tilespmem:$0x2A0]  }
0x188: {  	[tilespmem:$0xC80] =	vst v0  }
0x189: {  	v0 =	vld.idx.msk [tilespmem:v41+s22+$0x0], $0xffff;
	_ =	sdelay $0x3  }
0x18a: {  	v43 =	vld [tilespmem:$0x2B0]  }
0x18b: {  	[tilespmem:$0xC90] =	vst v0  }
0x18c: {  	v0 =	vld.idx.msk [tilespmem:v42+s22+$0x0], $0xffff;
	_ =	sdelay $0x3  }
0x18d: {  	v44 =	vld [tilespmem:$0x2C0]  }
0x18e: {  	[tilespmem:$0xCA0] =	vst v0  }
0x18f: {  	v0 =	vld.idx.msk [tilespmem:v43+s22+$0x0], $0xffff;
	_ =	sdelay $0x3  }
0x190: {  	v45 =	vld [tilespmem:$0x2D0]  }
0x191: {  	[tilespmem:$0xCB0] =	vst v0  }
0x192: {  	v0 =	vld.idx.msk [tilespmem:v44+s22+$0x0], $0xffff;
	_ =	sdelay $0x3  }
0x193: {  	v46 =	vld [tilespmem:$0x2E0]  }
0x194: {  	[tilespmem:$0xCC0] =	vst v0  }
0x195: {  	v0 =	vld.idx.msk [tilespmem:v45+s22+$0x0], $0xffff;
	_ =	sdelay $0x3  }
0x196: {  	v47 =	vld [tilespmem:$0x2F0]  }
0x197: {  	[tilespmem:$0xCD0] =	vst v0  }
0x198: {  	v0 =	vld.idx.msk [tilespmem:v46+s22+$0x0], $0xffff;
	_ =	sdelay $0x4  }
0x199: {  	[tilespmem:$0xCE0] =	vst v0  }
0x19a: {  	v0 =	vld.idx.msk [tilespmem:v47+s22+$0x0], $0xffff;
	_ =	sdelay $0x4  }
0x19b: {  	s29 =	simm.s32 $0xC00;
	s28 =	sadd.s32 $0x40, s3;
	[tilespmem:$0xCF0] =	vst v0  }
0x19c: {  	[hbm4b:s28+s2] =	stream.linear.scatter [tilespmem:s29], [sflag:$0x3], $0x100, $0x38;
	[tilespmem:$0xE40] =	vst v63  }
0x19d: {  	v48 =	vld [tilespmem:$0x300];
	_ =	sdelay $0x5  }
0x19e: {  	v49 =	vld [tilespmem:$0x310];
	_ =	sdelay $0x1  }
0x19f: {  	v0 =	vld.idx.msk [tilespmem:v48+s22+$0x0], $0xffff;
	_ =	sdelay $0x3  }
0x1a0: {  	v50 =	vld [tilespmem:$0x320]  }
0x1a1: {  	[tilespmem:$0xD00] =	vst v0  }
0x1a2: {  	v0 =	vld.idx.msk [tilespmem:v49+s22+$0x0], $0xffff;
	_ =	sdelay $0x3  }
0x1a3: {  	v51 =	vld [tilespmem:$0x330]  }
0x1a4: {  	[tilespmem:$0xD10] =	vst v0  }
0x1a5: {  	v0 =	vld.idx.msk [tilespmem:v50+s22+$0x0], $0xffff;
	_ =	sdelay $0x3  }
0x1a6: {  	v52 =	vld [tilespmem:$0x340]  }
0x1a7: {  	[tilespmem:$0xD20] =	vst v0  }
0x1a8: {  	v0 =	vld.idx.msk [tilespmem:v51+s22+$0x0], $0xffff;
	_ =	sdelay $0x3  }
0x1a9: {  	v53 =	vld [tilespmem:$0x350]  }
0x1aa: {  	[tilespmem:$0xD30] =	vst v0  }
0x1ab: {  	v0 =	vld.idx.msk [tilespmem:v52+s22+$0x0], $0xffff;
	_ =	sdelay $0x3  }
0x1ac: {  	v54 =	vld [tilespmem:$0x360]  }
0x1ad: {  	[tilespmem:$0xD40] =	vst v0  }
0x1ae: {  	v0 =	vld.idx.msk [tilespmem:v53+s22+$0x0], $0xffff;
	_ =	sdelay $0x3  }
0x1af: {  	v55 =	vld [tilespmem:$0x370]  }
0x1b0: {  	[tilespmem:$0xD50] =	vst v0  }
0x1b1: {  	v0 =	vld.idx.msk [tilespmem:v54+s22+$0x0], $0xffff;
	_ =	sdelay $0x3  }
0x1b2: {  	v56 =	vld [tilespmem:$0x380]  }
0x1b3: {  	[tilespmem:$0xD60] =	vst v0  }
0x1b4: {  	v0 =	vld.idx.msk [tilespmem:v55+s22+$0x0], $0xffff;
	_ =	sdelay $0x3  }
0x1b5: {  	v57 =	vld [tilespmem:$0x390]  }
0x1b6: {  	[tilespmem:$0xD70] =	vst v0  }
0x1b7: {  	v0 =	vld.idx.msk [tilespmem:v56+s22+$0x0], $0xffff;
	_ =	sdelay $0x3  }
0x1b8: {  	v58 =	vld [tilespmem:$0x3A0]  }
0x1b9: {  	[tilespmem:$0xD80] =	vst v0  }
0x1ba: {  	v0 =	vld.idx.msk [tilespmem:v57+s22+$0x0], $0xffff;
	_ =	sdelay $0x3  }
0x1bb: {  	v59 =	vld [tilespmem:$0x3B0]  }
0x1bc: {  	[tilespmem:$0xD90] =	vst v0  }
0x1bd: {  	v0 =	vld.idx.msk [tilespmem:v58+s22+$0x0], $0xffff;
	_ =	sdelay $0x3  }
0x1be: {  	v60 =	vld [tilespmem:$0x3C0]  }
0x1bf: {  	[tilespmem:$0xDA0] =	vst v0  }
0x1c0: {  	v0 =	vld.idx.msk [tilespmem:v59+s22+$0x0], $0xffff;
	_ =	sdelay $0x3  }
0x1c1: {  	v61 =	vld [tilespmem:$0x3D0]  }
0x1c2: {  	[tilespmem:$0xDB0] =	vst v0  }
0x1c3: {  	v0 =	vld.idx.msk [tilespmem:v60+s22+$0x0], $0xffff;
	_ =	sdelay $0x3  }
0x1c4: {  	v62 =	vld [tilespmem:$0x3E0]  }
0x1c5: {  	[tilespmem:$0xDC0] =	vst v0  }
0x1c6: {  	v0 =	vld.idx.msk [tilespmem:v61+s22+$0x0], $0xffff;
	_ =	sdelay $0x3  }
0x1c7: {  	v63 =	vld [tilespmem:$0x3F0]  }
0x1c8: {  	[tilespmem:$0xDD0] =	vst v0  }
0x1c9: {  	v0 =	vld.idx.msk [tilespmem:v62+s22+$0x0], $0xffff;
	_ =	sdelay $0x4  }
0x1ca: {  	[tilespmem:$0xDE0] =	vst v0  }
0x1cb: {  	v0 =	vld.idx.msk [tilespmem:v63+s22+$0x0], $0xffff;
	_ =	sdelay $0x4  }
0x1cc: {  	s30 =	simm.s32 $0xD00;
	s31 =	simm.s32 $0x3;
	s3 =	sadd.s32 $0x60, s3;
	[tilespmem:$0xDF0] =	vst v0  }
0x1cd: {  	[hbm4b:s3+s2] =	stream.linear.scatter [tilespmem:s30], [sflag:$0x3], $0x100, $0x38;
	[tilespmem:$0xE40] =	vst v63  }
0x1ce: {  	_ =	swait.ge [sflag:s31], $0x100  }
0x1cf: {  	[sflag:s31] =	ssyncset.done $0x0  }
0x1d0: {  	[sflag:s31] =	ssyncadd.s32 $0xFFFFFF00  }
0x1d1: {  	_ =	swait.ge [sflag:s31], $0x100  }
0x1d2: {  	[sflag:s31] =	ssyncset.done $0x0  }
0x1d3: {  	[sflag:s31] =	ssyncadd.s32 $0xFFFFFF00  }
0x1d4: {  	_ =	swait.ge [sflag:s31], $0x100  }
0x1d5: {  	[sflag:s31] =	ssyncset.done $0x0  }
0x1d6: {  	[sflag:s31] =	ssyncadd.s32 $0xFFFFFF00  }
0x1d7: {  	_ =	swait.ge [sflag:s31], $0x100  }
0x1d8: {  	[sflag:s31] =	ssyncset.done $0x0  }
0x1d9: {  	[sflag:s31] =	ssyncadd.s32 $0xFFFFFF00  }
0x1da: {  	_ =	sfence.sel $0x180000  }
0x1db: {  	[bflag:$0x0] =	sbarrier.arrive $0xFFFF  }
0x1dc: {  	p0 =	sne.s32 s0, $0x0;
	_ =	strace $0x90000047  }
0x1dd: {  	s0 =	sadd.s32 @!p0 $0x100000, s1;
	[bflag:$0x2] =	sbarrier.arrive $0xFFFF  }
0x1de: {  	[sflag:s0] =	ssyncadd.tile.s32 @!p0 $0x1;
	_ =	shalt  }
.Lfunc_end2:
_tile_overlayer_lowered:
.L_overlay_start_2:
0x1df: {  	(tag) =	ssettag $0x2  }
0x1e0: {  	s0 =	rddreg [dreg:$0x0];
	s2 =	stileid.u32  }
0x1e1: {  	s1 =	rddreg [dreg:$0x1];
	p0 =	sne.s32 s2, $0x0  }
0x1e2: {  	s3 =	rddreg [dreg:$0x2];
	[bflag:$0x3] =	sbarrier.arrive $0xFFFF;
	s2 =	simm.s32 @!p0 $0x1C04  }
0x1e3: {  	[timem:s3], [sflag:s2] =	dma.local @!p0 [hbm:s0], s1  }
0x1e4: {  	s0 =	simm.s32 @!p0 $0x4  }
0x1e5: {  	_ =	swait.ge @!p0 [sflag:s0], s1  }
0x1e6: {  	s1 =	ssub.s32 @!p0 $0x0, s1;
	[sflag:s0] =	ssyncset.done @!p0 $0x0  }
0x1e7: {  	[sflag:s0] =	ssyncadd.s32 @!p0 s1  }
0x1e8: {  	[bflag:$0x3] =	sbarrier.arrive $0xFFFF  }
0x1e9: {  	_ =	shalt  }

</sc_bundles>
